<compile_context>
chip_gen: v7x
topology: tpu7x:2x2x1
jax: 0.10.2.dev20260603
libtpu: 0.0.44.dev20260713+nightly
codegen_flags: <defaults>
</compile_context>

<pallas_src>
import functools

import jax
import jax.numpy as jnp
from jax import lax
from jax.experimental import pallas as pl
from jax.experimental.pallas import tpu as pltpu
from jax.experimental.pallas import tpu_sc as plsc

B, L, D = 4096, 200, 64
ROWS = L * D
NC, NS = 2, 16
NW = NC * NS
RPW = ROWS // NW
CB = 8
NCH = RPW // CB
LANES = 16
SPAD = RPW + LANES

_mesh = plsc.VectorSubcoreMesh(core_axis_name="c", subcore_axis_name="s")


@functools.partial(
    pl.kernel,
    out_type=jax.ShapeDtypeStruct((ROWS, B), jnp.float32),
    mesh=_mesh,
    scratch_types=[
        pltpu.VMEM((SPAD,), jnp.float32),
        pltpu.VMEM((2, CB, B), jnp.float32),
        pltpu.SemaphoreType.DMA,
        pltpu.SemaphoreType.DMA,
    ],
)
def _broadcast_table(emb_hbm, out_hbm, scal, fbuf, sem0, sem1):
    wid = lax.axis_index("s") * NC + lax.axis_index("c")
    row0 = wid * RPW
    pltpu.sync_copy(emb_hbm.at[pl.ds(row0, RPW)], scal.at[pl.ds(0, RPW)])
    sems = (sem0, sem1)

    def fill_row(buf_idx, r, ridx):
        vchunk = scal[pl.ds(ridx, LANES)]
        vec = jnp.full((LANES,), vchunk[0], jnp.float32)

        def body(k, carry):
            base = k * (8 * LANES)
            for u in range(8):
                fbuf[buf_idx, r, pl.ds(base + u * LANES, LANES)] = vec
            return carry

        lax.fori_loop(0, B // (8 * LANES), body, 0)

    def chunk(i, carry):
        for b in range(2):
            c = i * 2 + b
            dst = out_hbm.at[pl.ds(row0 + c * CB, CB)]

            @pl.when(i > 0)
            def _wait():
                pltpu.make_async_copy(fbuf.at[b], dst, sems[b]).wait()

            for r in range(CB):
                fill_row(b, r, c * CB + r)
            pltpu.async_copy(fbuf.at[b], dst, sems[b])
        return carry

    lax.fori_loop(0, NCH // 2, chunk, 0)
    for b in range(2):
        pltpu.make_async_copy(
            fbuf.at[b], out_hbm.at[pl.ds(row0, CB)], sems[b]
        ).wait()


def kernel(x, embedding):
    img = _broadcast_table(jnp.reshape(embedding, (ROWS,)))
    return jnp.transpose(jnp.reshape(img, (L, D, B)), (2, 0, 1))

# --- scband reference (transcript-rebuilt; emitter-appended) ---
"""Pipeline reference for scband-positional-encoding-50517405335959 (READ-ONLY COPY).

The authoritative reference and input builder live on the scoring server;
editing this copy changes nothing except your own understanding.
"""

import jax, jax.numpy as jnp
import numpy as np


def setup_inputs(seed: int = 0) -> dict:
    key = jax.random.key(seed)
    k1, k2 = jax.random.split(key)
    x = jax.random.normal(k1, (4096, 200, 64), dtype=jnp.float32)
    embedding = jax.random.normal(k2, (200, 64), dtype=jnp.float32) * 0.02
    return {"x": x, "embedding": embedding}


def reference(x, embedding):
    B = x.shape[0]
    L = x.shape[1]
    positions = jnp.arange(0, L, dtype=jnp.int32)
    positions = jnp.broadcast_to(positions[None, :], (B, L))
    out = jnp.take(embedding, positions, axis=0)
    return out

if __name__ == "__main__":
    import jax
    _d = setup_inputs()
    print(jax.jit(kernel)(*tuple(_d.values())))

</pallas_src>

<mosaic_0001>
#map = affine_map<(d0, d1) -> (0)>
#map1 = affine_map<(d0, d1) -> (0, 0)>
module attributes {stable_mosaic.version = 14 : i64} {
  func.func @_broadcast_table(%arg0: i32, %arg1: i32, %arg2: memref<12800xf32, #tpu.memory_space<hbm>>, %arg3: memref<12800x4096xf32, #tpu.memory_space<hbm>>, %arg4: memref<416xf32, #tpu.memory_space<vmem>>, %arg5: memref<2x8x4096xf32, #tpu.memory_space<vmem>>, %arg6: memref<!tpu.dma_semaphore, #tpu.memory_space<semaphore_mem>>, %arg7: memref<!tpu.dma_semaphore, #tpu.memory_space<semaphore_mem>>) attributes {dimension_semantics = [#tpu.dimension_semantics<core_parallel>, #tpu.dimension_semantics<subcore_parallel>], iteration_bounds = array<i64: 2, 16>, scalar_prefetch = 0 : i64, scratch_operands = 4 : i64, tpu.core_type = #tpu.core_type<sc_vector_subcore>, window_params = [{transform_indices = #map}, {transform_indices = #map1}]} {
    %mul3A = arith.constant 2 : i32
    %mul3A_0 = arith.muli %arg1, %mul3A : i32
    %add3A = arith.addi %mul3A_0, %arg0 : i32
    %mul3A_1 = arith.constant 400 : i32
    %mul3A_2 = arith.muli %add3A, %mul3A_1 : i32
    "tpu.region"() ({
      %run_scoped3A = tpu.sem_alloc : memref<!tpu.dma_semaphore, #tpu.memory_space<semaphore_mem>>
      %dma_start3A = arith.constant 0 : i32
      %dma_start3A_33 = tpu.memref_slice %arg4[%dma_start3A] : memref<416xf32, #tpu.memory_space<vmem>> -> memref<400xf32, #tpu.memory_space<vmem>>
      %dma_start3A_34 = tpu.memref_slice %arg2[%mul3A_2] : memref<12800xf32, #tpu.memory_space<hbm>> -> memref<400xf32, #tpu.memory_space<hbm>>
      %dma_start3A_35 = arith.constant 0 : i32
      %dma_start3A_36 = tpu.memref_slice %arg4[%dma_start3A_35] : memref<416xf32, #tpu.memory_space<vmem>> -> memref<400xf32, #tpu.memory_space<vmem>>
      %dma_start3A_37 = tpu.memref_slice %arg2[%mul3A_2] : memref<12800xf32, #tpu.memory_space<hbm>> -> memref<400xf32, #tpu.memory_space<hbm>>
      tpu.enqueue_dma source(%dma_start3A_37 : memref<400xf32, #tpu.memory_space<hbm>>) target(%dma_start3A_36 : memref<400xf32, #tpu.memory_space<vmem>>) target_semaphore(%run_scoped3A : memref<!tpu.dma_semaphore, #tpu.memory_space<semaphore_mem>>)
      %dma_wait3A_38 = arith.constant 0 : i32
      %dma_wait3A_39 = tpu.memref_slice %arg4[%dma_wait3A_38] : memref<416xf32, #tpu.memory_space<vmem>> -> memref<400xf32, #tpu.memory_space<vmem>>
      %dma_wait3A_40 = tpu.memref_slice %arg2[%mul3A_2] : memref<12800xf32, #tpu.memory_space<hbm>> -> memref<400xf32, #tpu.memory_space<hbm>>
      %dma_wait3A_41 = arith.constant 0 : i32
      %dma_wait3A_42 = tpu.memref_slice %arg4[%dma_wait3A_41] : memref<416xf32, #tpu.memory_space<vmem>> -> memref<400xf32, #tpu.memory_space<vmem>>
      %dma_wait3A_43 = tpu.memref_slice %arg2[%mul3A_2] : memref<12800xf32, #tpu.memory_space<hbm>> -> memref<400xf32, #tpu.memory_space<hbm>>
      tpu.wait_dma2 semaphore(%run_scoped3A : memref<!tpu.dma_semaphore, #tpu.memory_space<semaphore_mem>>) src(%dma_wait3A_43 : memref<400xf32, #tpu.memory_space<hbm>>) dst(%dma_wait3A_42 : memref<400xf32, #tpu.memory_space<vmem>>)
      tpu.yield
    }) : () -> ()
    %scan3A = arith.constant 0 : i32
    %scan3A_3 = arith.constant 0 : i32
    %scan3A_4 = arith.constant 25 : i32
    %scan3A_5 = arith.addi %scan3A_3, %scan3A_4 : i32
    %scan3A_6 = arith.constant 1 : i32
    scf.for %scan3A_33 = %scan3A_3 to %scan3A_5 step %scan3A_6  : i32 {
      %mul3A_34 = arith.constant 2 : i32
      %mul3A_35 = arith.muli %scan3A_33, %mul3A_34 : i32
      %add3A_36 = arith.constant 0 : i32
      %add3A_37 = arith.addi %mul3A_35, %add3A_36 : i32
      %mul3A_38 = arith.constant 8 : i32
      %mul3A_39 = arith.muli %add3A_37, %mul3A_38 : i32
      %add3A_40 = arith.addi %mul3A_2, %mul3A_39 : i32
      %gt3A = arith.constant 0 : i32
      %gt3A_41 = arith.cmpi sgt, %scan3A_33, %gt3A : i32
      %convert_element_type3A = arith.extui %gt3A_41 : i1 to i32
      %cond3A = arith.constant 0 : i32
      %cond3A_42 = arith.cmpi ne, %convert_element_type3A, %cond3A : i32
      scf.if %cond3A_42 {
        %dma_wait3A_332 = arith.constant 0 : i32
        %dma_wait3A_333 = arith.constant 0 : i32
        %dma_wait3A_334 = arith.constant 0 : i32
        %dma_wait3A_335 = tpu.memref_slice %arg5[%dma_wait3A_332, %dma_wait3A_333, %dma_wait3A_334] : memref<2x8x4096xf32, #tpu.memory_space<vmem>> -> memref<1x8x4096xf32, #tpu.memory_space<vmem>>
        %dma_wait3A_336 = tpu.memref_squeeze %dma_wait3A_335 : memref<1x8x4096xf32, #tpu.memory_space<vmem>> -> memref<8x4096xf32, #tpu.memory_space<vmem>>
        %dma_wait3A_337 = arith.constant 0 : i32
        %dma_wait3A_338 = tpu.memref_slice %arg3[%add3A_40, %dma_wait3A_337] : memref<12800x4096xf32, #tpu.memory_space<hbm>> -> memref<8x4096xf32, #tpu.memory_space<hbm>>
        %dma_wait3A_339 = arith.constant 0 : i32
        %dma_wait3A_340 = tpu.memref_slice %arg3[%add3A_40, %dma_wait3A_339] : memref<12800x4096xf32, #tpu.memory_space<hbm>> -> memref<8x4096xf32, #tpu.memory_space<hbm>>
        %dma_wait3A_341 = arith.constant 0 : i32
        %dma_wait3A_342 = arith.constant 0 : i32
        %dma_wait3A_343 = tpu.memref_slice %arg5[%dma_wait3A_332, %dma_wait3A_341, %dma_wait3A_342] : memref<2x8x4096xf32, #tpu.memory_space<vmem>> -> memref<1x8x4096xf32, #tpu.memory_space<vmem>>
        %dma_wait3A_344 = tpu.memref_squeeze %dma_wait3A_343 : memref<1x8x4096xf32, #tpu.memory_space<vmem>> -> memref<8x4096xf32, #tpu.memory_space<vmem>>
        tpu.wait_dma2 semaphore(%arg6 : memref<!tpu.dma_semaphore, #tpu.memory_space<semaphore_mem>>) src(%dma_wait3A_344 : memref<8x4096xf32, #tpu.memory_space<vmem>>) dst(%dma_wait3A_340 : memref<8x4096xf32, #tpu.memory_space<hbm>>)
      } else {
      }
      %mul3A_43 = arith.constant 8 : i32
      %mul3A_44 = arith.muli %add3A_37, %mul3A_43 : i32
      %add3A_45 = arith.constant 0 : i32
      %add3A_46 = arith.addi %mul3A_44, %add3A_45 : i32
      %get3A = arith.index_cast %add3A_46 : i32 to index
      %get3A_47 = tpu.vector_load %arg4[%get3A] {strides = array<i32>} : memref<416xf32, #tpu.memory_space<vmem>>, vector<16xf32>,
      %get3A_48 = vector.shape_cast %get3A_47 : vector<16xf32> to vector<16xf32>
      %slice3A = vector.extract_strided_slice %get3A_48 {offsets = [0], sizes = [1], strides = [1]} : vector<16xf32> to vector<1xf32>
      %squeeze3A = vector.extract %slice3A[0] : f32 from vector<1xf32>
      %broadcast_in_dim3A = vector.broadcast %squeeze3A : f32 to vector<16xf32>
      %scan3A_49 = arith.constant 0 : i32
      %scan3A_50 = arith.constant 0 : i32
      %scan3A_51 = arith.constant 32 : i32
      %scan3A_52 = arith.addi %scan3A_50, %scan3A_51 : i32
      %scan3A_53 = arith.constant 1 : i32
      scf.for %scan3A_332 = %scan3A_50 to %scan3A_52 step %scan3A_53  : i32 {
        %mul3A_333 = arith.constant 128 : i32
        %mul3A_334 = arith.muli %scan3A_332, %mul3A_333 : i32
        %add3A_335 = arith.constant 0 : i32
        %add3A_336 = arith.addi %mul3A_334, %add3A_335 : i32
        %swap3A = arith.constant 0 : i32
        %swap3A_337 = arith.constant 0 : i32
        %swap3A_338 = arith.index_cast %swap3A : i32 to index
        %swap3A_339 = arith.index_cast %swap3A_337 : i32 to index
        %swap3A_340 = arith.index_cast %add3A_336 : i32 to index
        %swap3A_341 = tpu.vector_load %arg5[%swap3A_338, %swap3A_339, %swap3A_340] {strides = array<i32>} : memref<2x8x4096xf32, #tpu.memory_space<vmem>>, vector<1x1x16xf32>,
        %swap3A_342 = vector.shape_cast %swap3A_341 : vector<1x1x16xf32> to vector<16xf32>
        %swap3A_343 = vector.shape_cast %broadcast_in_dim3A : vector<16xf32> to vector<1x1x16xf32>
        tpu.vector_store %arg5[%swap3A_338, %swap3A_339, %swap3A_340], %swap3A_343 {strides = array<i32>} : memref<2x8x4096xf32, #tpu.memory_space<vmem>>, vector<1x1x16xf32>,
        %add3A_344 = arith.constant 16 : i32
        %add3A_345 = arith.addi %mul3A_334, %add3A_344 : i32
        %swap3A_346 = arith.constant 0 : i32
        %swap3A_347 = arith.constant 0 : i32
        %swap3A_348 = arith.index_cast %swap3A_346 : i32 to index
        %swap3A_349 = arith.index_cast %swap3A_347 : i32 to index
        %swap3A_350 = arith.index_cast %add3A_345 : i32 to index
        %swap3A_351 = tpu.vector_load %arg5[%swap3A_348, %swap3A_349, %swap3A_350] {strides = array<i32>} : memref<2x8x4096xf32, #tpu.memory_space<vmem>>, vector<1x1x16xf32>,
        %swap3A_352 = vector.shape_cast %swap3A_351 : vector<1x1x16xf32> to vector<16xf32>
        %swap3A_353 = vector.shape_cast %broadcast_in_dim3A : vector<16xf32> to vector<1x1x16xf32>
        tpu.vector_store %arg5[%swap3A_348, %swap3A_349, %swap3A_350], %swap3A_353 {strides = array<i32>} : memref<2x8x4096xf32, #tpu.memory_space<vmem>>, vector<1x1x16xf32>,
        %add3A_354 = arith.constant 32 : i32
        %add3A_355 = arith.addi %mul3A_334, %add3A_354 : i32
        %swap3A_356 = arith.constant 0 : i32
        %swap3A_357 = arith.constant 0 : i32
        %swap3A_358 = arith.index_cast %swap3A_356 : i32 to index
        %swap3A_359 = arith.index_cast %swap3A_357 : i32 to index
        %swap3A_360 = arith.index_cast %add3A_355 : i32 to index
        %swap3A_361 = tpu.vector_load %arg5[%swap3A_358, %swap3A_359, %swap3A_360] {strides = array<i32>} : memref<2x8x4096xf32, #tpu.memory_space<vmem>>, vector<1x1x16xf32>,
        %swap3A_362 = vector.shape_cast %swap3A_361 : vector<1x1x16xf32> to vector<16xf32>
        %swap3A_363 = vector.shape_cast %broadcast_in_dim3A : vector<16xf32> to vector<1x1x16xf32>
        tpu.vector_store %arg5[%swap3A_358, %swap3A_359, %swap3A_360], %swap3A_363 {strides = array<i32>} : memref<2x8x4096xf32, #tpu.memory_space<vmem>>, vector<1x1x16xf32>,
        %add3A_364 = arith.constant 48 : i32
        %add3A_365 = arith.addi %mul3A_334, %add3A_364 : i32
        %swap3A_366 = arith.constant 0 : i32
        %swap3A_367 = arith.constant 0 : i32
        %swap3A_368 = arith.index_cast %swap3A_366 : i32 to index
        %swap3A_369 = arith.index_cast %swap3A_367 : i32 to index
        %swap3A_370 = arith.index_cast %add3A_365 : i32 to index
        %swap3A_371 = tpu.vector_load %arg5[%swap3A_368, %swap3A_369, %swap3A_370] {strides = array<i32>} : memref<2x8x4096xf32, #tpu.memory_space<vmem>>, vector<1x1x16xf32>,
        %swap3A_372 = vector.shape_cast %swap3A_371 : vector<1x1x16xf32> to vector<16xf32>
        %swap3A_373 = vector.shape_cast %broadcast_in_dim3A : vector<16xf32> to vector<1x1x16xf32>
        tpu.vector_store %arg5[%swap3A_368, %swap3A_369, %swap3A_370], %swap3A_373 {strides = array<i32>} : memref<2x8x4096xf32, #tpu.memory_space<vmem>>, vector<1x1x16xf32>,
        %add3A_374 = arith.constant 64 : i32
        %add3A_375 = arith.addi %mul3A_334, %add3A_374 : i32
        %swap3A_376 = arith.constant 0 : i32
        %swap3A_377 = arith.constant 0 : i32
        %swap3A_378 = arith.index_cast %swap3A_376 : i32 to index
        %swap3A_379 = arith.index_cast %swap3A_377 : i32 to index
        %swap3A_380 = arith.index_cast %add3A_375 : i32 to index
        %swap3A_381 = tpu.vector_load %arg5[%swap3A_378, %swap3A_379, %swap3A_380] {strides = array<i32>} : memref<2x8x4096xf32, #tpu.memory_space<vmem>>, vector<1x1x16xf32>,
        %swap3A_382 = vector.shape_cast %swap3A_381 : vector<1x1x16xf32> to vector<16xf32>
        %swap3A_383 = vector.shape_cast %broadcast_in_dim3A : vector<16xf32> to vector<1x1x16xf32>
        tpu.vector_store %arg5[%swap3A_378, %swap3A_379, %swap3A_380], %swap3A_383 {strides = array<i32>} : memref<2x8x4096xf32, #tpu.memory_space<vmem>>, vector<1x1x16xf32>,
        %add3A_384 = arith.constant 80 : i32
        %add3A_385 = arith.addi %mul3A_334, %add3A_384 : i32
        %swap3A_386 = arith.constant 0 : i32
        %swap3A_387 = arith.constant 0 : i32
        %swap3A_388 = arith.index_cast %swap3A_386 : i32 to index
        %swap3A_389 = arith.index_cast %swap3A_387 : i32 to index
        %swap3A_390 = arith.index_cast %add3A_385 : i32 to index
        %swap3A_391 = tpu.vector_load %arg5[%swap3A_388, %swap3A_389, %swap3A_390] {strides = array<i32>} : memref<2x8x4096xf32, #tpu.memory_space<vmem>>, vector<1x1x16xf32>,
        %swap3A_392 = vector.shape_cast %swap3A_391 : vector<1x1x16xf32> to vector<16xf32>
        %swap3A_393 = vector.shape_cast %broadcast_in_dim3A : vector<16xf32> to vector<1x1x16xf32>
        tpu.vector_store %arg5[%swap3A_388, %swap3A_389, %swap3A_390], %swap3A_393 {strides = array<i32>} : memref<2x8x4096xf32, #tpu.memory_space<vmem>>, vector<1x1x16xf32>,
        %add3A_394 = arith.constant 96 : i32
        %add3A_395 = arith.addi %mul3A_334, %add3A_394 : i32
        %swap3A_396 = arith.constant 0 : i32
        %swap3A_397 = arith.constant 0 : i32
        %swap3A_398 = arith.index_cast %swap3A_396 : i32 to index
        %swap3A_399 = arith.index_cast %swap3A_397 : i32 to index
        %swap3A_400 = arith.index_cast %add3A_395 : i32 to index
        %swap3A_401 = tpu.vector_load %arg5[%swap3A_398, %swap3A_399, %swap3A_400] {strides = array<i32>} : memref<2x8x4096xf32, #tpu.memory_space<vmem>>, vector<1x1x16xf32>,
        %swap3A_402 = vector.shape_cast %swap3A_401 : vector<1x1x16xf32> to vector<16xf32>
        %swap3A_403 = vector.shape_cast %broadcast_in_dim3A : vector<16xf32> to vector<1x1x16xf32>
        tpu.vector_store %arg5[%swap3A_398, %swap3A_399, %swap3A_400], %swap3A_403 {strides = array<i32>} : memref<2x8x4096xf32, #tpu.memory_space<vmem>>, vector<1x1x16xf32>,
        %add3A_404 = arith.constant 112 : i32
        %add3A_405 = arith.addi %mul3A_334, %add3A_404 : i32
        %swap3A_406 = arith.constant 0 : i32
        %swap3A_407 = arith.constant 0 : i32
        %swap3A_408 = arith.index_cast %swap3A_406 : i32 to index
        %swap3A_409 = arith.index_cast %swap3A_407 : i32 to index
        %swap3A_410 = arith.index_cast %add3A_405 : i32 to index
        %swap3A_411 = tpu.vector_load %arg5[%swap3A_408, %swap3A_409, %swap3A_410] {strides = array<i32>} : memref<2x8x4096xf32, #tpu.memory_space<vmem>>, vector<1x1x16xf32>,
        %swap3A_412 = vector.shape_cast %swap3A_411 : vector<1x1x16xf32> to vector<16xf32>
        %swap3A_413 = vector.shape_cast %broadcast_in_dim3A : vector<16xf32> to vector<1x1x16xf32>
        tpu.vector_store %arg5[%swap3A_408, %swap3A_409, %swap3A_410], %swap3A_413 {strides = array<i32>} : memref<2x8x4096xf32, #tpu.memory_space<vmem>>, vector<1x1x16xf32>,
      }
      %scan3A_54 = arith.constant 32 : i32
      %mul3A_55 = arith.constant 8 : i32
      %mul3A_56 = arith.muli %add3A_37, %mul3A_55 : i32
      %add3A_57 = arith.constant 1 : i32
      %add3A_58 = arith.addi %mul3A_56, %add3A_57 : i32
      %get3A_59 = arith.index_cast %add3A_58 : i32 to index
      %get3A_60 = tpu.vector_load %arg4[%get3A_59] {strides = array<i32>} : memref<416xf32, #tpu.memory_space<vmem>>, vector<16xf32>,
      %get3A_61 = vector.shape_cast %get3A_60 : vector<16xf32> to vector<16xf32>
      %slice3A_62 = vector.extract_strided_slice %get3A_61 {offsets = [0], sizes = [1], strides = [1]} : vector<16xf32> to vector<1xf32>
      %squeeze3A_63 = vector.extract %slice3A_62[0] : f32 from vector<1xf32>
      %broadcast_in_dim3A_64 = vector.broadcast %squeeze3A_63 : f32 to vector<16xf32>
      %scan3A_65 = arith.constant 0 : i32
      %scan3A_66 = arith.constant 0 : i32
      %scan3A_67 = arith.constant 32 : i32
      %scan3A_68 = arith.addi %scan3A_66, %scan3A_67 : i32
      %scan3A_69 = arith.constant 1 : i32
      scf.for %scan3A_332 = %scan3A_66 to %scan3A_68 step %scan3A_69  : i32 {
        %mul3A_333 = arith.constant 128 : i32
        %mul3A_334 = arith.muli %scan3A_332, %mul3A_333 : i32
        %add3A_335 = arith.constant 0 : i32
        %add3A_336 = arith.addi %mul3A_334, %add3A_335 : i32
        %swap3A = arith.constant 0 : i32
        %swap3A_337 = arith.constant 1 : i32
        %swap3A_338 = arith.index_cast %swap3A : i32 to index
        %swap3A_339 = arith.index_cast %swap3A_337 : i32 to index
        %swap3A_340 = arith.index_cast %add3A_336 : i32 to index
        %swap3A_341 = tpu.vector_load %arg5[%swap3A_338, %swap3A_339, %swap3A_340] {strides = array<i32>} : memref<2x8x4096xf32, #tpu.memory_space<vmem>>, vector<1x1x16xf32>,
        %swap3A_342 = vector.shape_cast %swap3A_341 : vector<1x1x16xf32> to vector<16xf32>
        %swap3A_343 = vector.shape_cast %broadcast_in_dim3A_64 : vector<16xf32> to vector<1x1x16xf32>
        tpu.vector_store %arg5[%swap3A_338, %swap3A_339, %swap3A_340], %swap3A_343 {strides = array<i32>} : memref<2x8x4096xf32, #tpu.memory_space<vmem>>, vector<1x1x16xf32>,
        %add3A_344 = arith.constant 16 : i32
        %add3A_345 = arith.addi %mul3A_334, %add3A_344 : i32
        %swap3A_346 = arith.constant 0 : i32
        %swap3A_347 = arith.constant 1 : i32
        %swap3A_348 = arith.index_cast %swap3A_346 : i32 to index
        %swap3A_349 = arith.index_cast %swap3A_347 : i32 to index
        %swap3A_350 = arith.index_cast %add3A_345 : i32 to index
        %swap3A_351 = tpu.vector_load %arg5[%swap3A_348, %swap3A_349, %swap3A_350] {strides = array<i32>} : memref<2x8x4096xf32, #tpu.memory_space<vmem>>, vector<1x1x16xf32>,
        %swap3A_352 = vector.shape_cast %swap3A_351 : vector<1x1x16xf32> to vector<16xf32>
        %swap3A_353 = vector.shape_cast %broadcast_in_dim3A_64 : vector<16xf32> to vector<1x1x16xf32>
        tpu.vector_store %arg5[%swap3A_348, %swap3A_349, %swap3A_350], %swap3A_353 {strides = array<i32>} : memref<2x8x4096xf32, #tpu.memory_space<vmem>>, vector<1x1x16xf32>,
        %add3A_354 = arith.constant 32 : i32
        %add3A_355 = arith.addi %mul3A_334, %add3A_354 : i32
        %swap3A_356 = arith.constant 0 : i32
        %swap3A_357 = arith.constant 1 : i32
        %swap3A_358 = arith.index_cast %swap3A_356 : i32 to index
        %swap3A_359 = arith.index_cast %swap3A_357 : i32 to index
        %swap3A_360 = arith.index_cast %add3A_355 : i32 to index
        %swap3A_361 = tpu.vector_load %arg5[%swap3A_358, %swap3A_359, %swap3A_360] {strides = array<i32>} : memref<2x8x4096xf32, #tpu.memory_space<vmem>>, vector<1x1x16xf32>,
        %swap3A_362 = vector.shape_cast %swap3A_361 : vector<1x1x16xf32> to vector<16xf32>
        %swap3A_363 = vector.shape_cast %broadcast_in_dim3A_64 : vector<16xf32> to vector<1x1x16xf32>
        tpu.vector_store %arg5[%swap3A_358, %swap3A_359, %swap3A_360], %swap3A_363 {strides = array<i32>} : memref<2x8x4096xf32, #tpu.memory_space<vmem>>, vector<1x1x16xf32>,
        %add3A_364 = arith.constant 48 : i32
        %add3A_365 = arith.addi %mul3A_334, %add3A_364 : i32
        %swap3A_366 = arith.constant 0 : i32
        %swap3A_367 = arith.constant 1 : i32
        %swap3A_368 = arith.index_cast %swap3A_366 : i32 to index
        %swap3A_369 = arith.index_cast %swap3A_367 : i32 to index
        %swap3A_370 = arith.index_cast %add3A_365 : i32 to index
        %swap3A_371 = tpu.vector_load %arg5[%swap3A_368, %swap3A_369, %swap3A_370] {strides = array<i32>} : memref<2x8x4096xf32, #tpu.memory_space<vmem>>, vector<1x1x16xf32>,
        %swap3A_372 = vector.shape_cast %swap3A_371 : vector<1x1x16xf32> to vector<16xf32>
        %swap3A_373 = vector.shape_cast %broadcast_in_dim3A_64 : vector<16xf32> to vector<1x1x16xf32>
        tpu.vector_store %arg5[%swap3A_368, %swap3A_369, %swap3A_370], %swap3A_373 {strides = array<i32>} : memref<2x8x4096xf32, #tpu.memory_space<vmem>>, vector<1x1x16xf32>,
        %add3A_374 = arith.constant 64 : i32
        %add3A_375 = arith.addi %mul3A_334, %add3A_374 : i32
        %swap3A_376 = arith.constant 0 : i32
        %swap3A_377 = arith.constant 1 : i32
        %swap3A_378 = arith.index_cast %swap3A_376 : i32 to index
        %swap3A_379 = arith.index_cast %swap3A_377 : i32 to index
        %swap3A_380 = arith.index_cast %add3A_375 : i32 to index
        %swap3A_381 = tpu.vector_load %arg5[%swap3A_378, %swap3A_379, %swap3A_380] {strides = array<i32>} : memref<2x8x4096xf32, #tpu.memory_space<vmem>>, vector<1x1x16xf32>,
        %swap3A_382 = vector.shape_cast %swap3A_381 : vector<1x1x16xf32> to vector<16xf32>
        %swap3A_383 = vector.shape_cast %broadcast_in_dim3A_64 : vector<16xf32> to vector<1x1x16xf32>
        tpu.vector_store %arg5[%swap3A_378, %swap3A_379, %swap3A_380], %swap3A_383 {strides = array<i32>} : memref<2x8x4096xf32, #tpu.memory_space<vmem>>, vector<1x1x16xf32>,
        %add3A_384 = arith.constant 80 : i32
        %add3A_385 = arith.addi %mul3A_334, %add3A_384 : i32
        %swap3A_386 = arith.constant 0 : i32
        %swap3A_387 = arith.constant 1 : i32
        %swap3A_388 = arith.index_cast %swap3A_386 : i32 to index
        %swap3A_389 = arith.index_cast %swap3A_387 : i32 to index
        %swap3A_390 = arith.index_cast %add3A_385 : i32 to index
        %swap3A_391 = tpu.vector_load %arg5[%swap3A_388, %swap3A_389, %swap3A_390] {strides = array<i32>} : memref<2x8x4096xf32, #tpu.memory_space<vmem>>, vector<1x1x16xf32>,
        %swap3A_392 = vector.shape_cast %swap3A_391 : vector<1x1x16xf32> to vector<16xf32>
        %swap3A_393 = vector.shape_cast %broadcast_in_dim3A_64 : vector<16xf32> to vector<1x1x16xf32>
        tpu.vector_store %arg5[%swap3A_388, %swap3A_389, %swap3A_390], %swap3A_393 {strides = array<i32>} : memref<2x8x4096xf32, #tpu.memory_space<vmem>>, vector<1x1x16xf32>,
        %add3A_394 = arith.constant 96 : i32
        %add3A_395 = arith.addi %mul3A_334, %add3A_394 : i32
        %swap3A_396 = arith.constant 0 : i32
        %swap3A_397 = arith.constant 1 : i32
        %swap3A_398 = arith.index_cast %swap3A_396 : i32 to index
        %swap3A_399 = arith.index_cast %swap3A_397 : i32 to index
        %swap3A_400 = arith.index_cast %add3A_395 : i32 to index
        %swap3A_401 = tpu.vector_load %arg5[%swap3A_398, %swap3A_399, %swap3A_400] {strides = array<i32>} : memref<2x8x4096xf32, #tpu.memory_space<vmem>>, vector<1x1x16xf32>,
        %swap3A_402 = vector.shape_cast %swap3A_401 : vector<1x1x16xf32> to vector<16xf32>
        %swap3A_403 = vector.shape_cast %broadcast_in_dim3A_64 : vector<16xf32> to vector<1x1x16xf32>
        tpu.vector_store %arg5[%swap3A_398, %swap3A_399, %swap3A_400], %swap3A_403 {strides = array<i32>} : memref<2x8x4096xf32, #tpu.memory_space<vmem>>, vector<1x1x16xf32>,
        %add3A_404 = arith.constant 112 : i32
        %add3A_405 = arith.addi %mul3A_334, %add3A_404 : i32
        %swap3A_406 = arith.constant 0 : i32
        %swap3A_407 = arith.constant 1 : i32
        %swap3A_408 = arith.index_cast %swap3A_406 : i32 to index
        %swap3A_409 = arith.index_cast %swap3A_407 : i32 to index
        %swap3A_410 = arith.index_cast %add3A_405 : i32 to index
        %swap3A_411 = tpu.vector_load %arg5[%swap3A_408, %swap3A_409, %swap3A_410] {strides = array<i32>} : memref<2x8x4096xf32, #tpu.memory_space<vmem>>, vector<1x1x16xf32>,
        %swap3A_412 = vector.shape_cast %swap3A_411 : vector<1x1x16xf32> to vector<16xf32>
        %swap3A_413 = vector.shape_cast %broadcast_in_dim3A_64 : vector<16xf32> to vector<1x1x16xf32>
        tpu.vector_store %arg5[%swap3A_408, %swap3A_409, %swap3A_410], %swap3A_413 {strides = array<i32>} : memref<2x8x4096xf32, #tpu.memory_space<vmem>>, vector<1x1x16xf32>,
      }
      %scan3A_70 = arith.constant 32 : i32
      %mul3A_71 = arith.constant 8 : i32
      %mul3A_72 = arith.muli %add3A_37, %mul3A_71 : i32
      %add3A_73 = arith.constant 2 : i32
      %add3A_74 = arith.addi %mul3A_72, %add3A_73 : i32
      %get3A_75 = arith.index_cast %add3A_74 : i32 to index
      %get3A_76 = tpu.vector_load %arg4[%get3A_75] {strides = array<i32>} : memref<416xf32, #tpu.memory_space<vmem>>, vector<16xf32>,
      %get3A_77 = vector.shape_cast %get3A_76 : vector<16xf32> to vector<16xf32>
      %slice3A_78 = vector.extract_strided_slice %get3A_77 {offsets = [0], sizes = [1], strides = [1]} : vector<16xf32> to vector<1xf32>
      %squeeze3A_79 = vector.extract %slice3A_78[0] : f32 from vector<1xf32>
      %broadcast_in_dim3A_80 = vector.broadcast %squeeze3A_79 : f32 to vector<16xf32>
      %scan3A_81 = arith.constant 0 : i32
      %scan3A_82 = arith.constant 0 : i32
      %scan3A_83 = arith.constant 32 : i32
      %scan3A_84 = arith.addi %scan3A_82, %scan3A_83 : i32
      %scan3A_85 = arith.constant 1 : i32
      scf.for %scan3A_332 = %scan3A_82 to %scan3A_84 step %scan3A_85  : i32 {
        %mul3A_333 = arith.constant 128 : i32
        %mul3A_334 = arith.muli %scan3A_332, %mul3A_333 : i32
        %add3A_335 = arith.constant 0 : i32
        %add3A_336 = arith.addi %mul3A_334, %add3A_335 : i32
        %swap3A = arith.constant 0 : i32
        %swap3A_337 = arith.constant 2 : i32
        %swap3A_338 = arith.index_cast %swap3A : i32 to index
        %swap3A_339 = arith.index_cast %swap3A_337 : i32 to index
        %swap3A_340 = arith.index_cast %add3A_336 : i32 to index
        %swap3A_341 = tpu.vector_load %arg5[%swap3A_338, %swap3A_339, %swap3A_340] {strides = array<i32>} : memref<2x8x4096xf32, #tpu.memory_space<vmem>>, vector<1x1x16xf32>,
        %swap3A_342 = vector.shape_cast %swap3A_341 : vector<1x1x16xf32> to vector<16xf32>
        %swap3A_343 = vector.shape_cast %broadcast_in_dim3A_80 : vector<16xf32> to vector<1x1x16xf32>
        tpu.vector_store %arg5[%swap3A_338, %swap3A_339, %swap3A_340], %swap3A_343 {strides = array<i32>} : memref<2x8x4096xf32, #tpu.memory_space<vmem>>, vector<1x1x16xf32>,
        %add3A_344 = arith.constant 16 : i32
        %add3A_345 = arith.addi %mul3A_334, %add3A_344 : i32
        %swap3A_346 = arith.constant 0 : i32
        %swap3A_347 = arith.constant 2 : i32
        %swap3A_348 = arith.index_cast %swap3A_346 : i32 to index
        %swap3A_349 = arith.index_cast %swap3A_347 : i32 to index
        %swap3A_350 = arith.index_cast %add3A_345 : i32 to index
        %swap3A_351 = tpu.vector_load %arg5[%swap3A_348, %swap3A_349, %swap3A_350] {strides = array<i32>} : memref<2x8x4096xf32, #tpu.memory_space<vmem>>, vector<1x1x16xf32>,
        %swap3A_352 = vector.shape_cast %swap3A_351 : vector<1x1x16xf32> to vector<16xf32>
        %swap3A_353 = vector.shape_cast %broadcast_in_dim3A_80 : vector<16xf32> to vector<1x1x16xf32>
        tpu.vector_store %arg5[%swap3A_348, %swap3A_349, %swap3A_350], %swap3A_353 {strides = array<i32>} : memref<2x8x4096xf32, #tpu.memory_space<vmem>>, vector<1x1x16xf32>,
        %add3A_354 = arith.constant 32 : i32
        %add3A_355 = arith.addi %mul3A_334, %add3A_354 : i32
        %swap3A_356 = arith.constant 0 : i32
        %swap3A_357 = arith.constant 2 : i32
        %swap3A_358 = arith.index_cast %swap3A_356 : i32 to index
        %swap3A_359 = arith.index_cast %swap3A_357 : i32 to index
        %swap3A_360 = arith.index_cast %add3A_355 : i32 to index
        %swap3A_361 = tpu.vector_load %arg5[%swap3A_358, %swap3A_359, %swap3A_360] {strides = array<i32>} : memref<2x8x4096xf32, #tpu.memory_space<vmem>>, vector<1x1x16xf32>,
        %swap3A_362 = vector.shape_cast %swap3A_361 : vector<1x1x16xf32> to vector<16xf32>
        %swap3A_363 = vector.shape_cast %broadcast_in_dim3A_80 : vector<16xf32> to vector<1x1x16xf32>
        tpu.vector_store %arg5[%swap3A_358, %swap3A_359, %swap3A_360], %swap3A_363 {strides = array<i32>} : memref<2x8x4096xf32, #tpu.memory_space<vmem>>, vector<1x1x16xf32>,
        %add3A_364 = arith.constant 48 : i32
        %add3A_365 = arith.addi %mul3A_334, %add3A_364 : i32
        %swap3A_366 = arith.constant 0 : i32
        %swap3A_367 = arith.constant 2 : i32
        %swap3A_368 = arith.index_cast %swap3A_366 : i32 to index
        %swap3A_369 = arith.index_cast %swap3A_367 : i32 to index
        %swap3A_370 = arith.index_cast %add3A_365 : i32 to index
        %swap3A_371 = tpu.vector_load %arg5[%swap3A_368, %swap3A_369, %swap3A_370] {strides = array<i32>} : memref<2x8x4096xf32, #tpu.memory_space<vmem>>, vector<1x1x16xf32>,
        %swap3A_372 = vector.shape_cast %swap3A_371 : vector<1x1x16xf32> to vector<16xf32>
        %swap3A_373 = vector.shape_cast %broadcast_in_dim3A_80 : vector<16xf32> to vector<1x1x16xf32>
        tpu.vector_store %arg5[%swap3A_368, %swap3A_369, %swap3A_370], %swap3A_373 {strides = array<i32>} : memref<2x8x4096xf32, #tpu.memory_space<vmem>>, vector<1x1x16xf32>,
        %add3A_374 = arith.constant 64 : i32
        %add3A_375 = arith.addi %mul3A_334, %add3A_374 : i32
        %swap3A_376 = arith.constant 0 : i32
        %swap3A_377 = arith.constant 2 : i32
        %swap3A_378 = arith.index_cast %swap3A_376 : i32 to index
        %swap3A_379 = arith.index_cast %swap3A_377 : i32 to index
        %swap3A_380 = arith.index_cast %add3A_375 : i32 to index
        %swap3A_381 = tpu.vector_load %arg5[%swap3A_378, %swap3A_379, %swap3A_380] {strides = array<i32>} : memref<2x8x4096xf32, #tpu.memory_space<vmem>>, vector<1x1x16xf32>,
        %swap3A_382 = vector.shape_cast %swap3A_381 : vector<1x1x16xf32> to vector<16xf32>
        %swap3A_383 = vector.shape_cast %broadcast_in_dim3A_80 : vector<16xf32> to vector<1x1x16xf32>
        tpu.vector_store %arg5[%swap3A_378, %swap3A_379, %swap3A_380], %swap3A_383 {strides = array<i32>} : memref<2x8x4096xf32, #tpu.memory_space<vmem>>, vector<1x1x16xf32>,
        %add3A_384 = arith.constant 80 : i32
        %add3A_385 = arith.addi %mul3A_334, %add3A_384 : i32
        %swap3A_386 = arith.constant 0 : i32
        %swap3A_387 = arith.constant 2 : i32
        %swap3A_388 = arith.index_cast %swap3A_386 : i32 to index
        %swap3A_389 = arith.index_cast %swap3A_387 : i32 to index
        %swap3A_390 = arith.index_cast %add3A_385 : i32 to index
        %swap3A_391 = tpu.vector_load %arg5[%swap3A_388, %swap3A_389, %swap3A_390] {strides = array<i32>} : memref<2x8x4096xf32, #tpu.memory_space<vmem>>, vector<1x1x16xf32>,
        %swap3A_392 = vector.shape_cast %swap3A_391 : vector<1x1x16xf32> to vector<16xf32>
        %swap3A_393 = vector.shape_cast %broadcast_in_dim3A_80 : vector<16xf32> to vector<1x1x16xf32>
        tpu.vector_store %arg5[%swap3A_388, %swap3A_389, %swap3A_390], %swap3A_393 {strides = array<i32>} : memref<2x8x4096xf32, #tpu.memory_space<vmem>>, vector<1x1x16xf32>,
        %add3A_394 = arith.constant 96 : i32
        %add3A_395 = arith.addi %mul3A_334, %add3A_394 : i32
        %swap3A_396 = arith.constant 0 : i32
        %swap3A_397 = arith.constant 2 : i32
        %swap3A_398 = arith.index_cast %swap3A_396 : i32 to index
        %swap3A_399 = arith.index_cast %swap3A_397 : i32 to index
        %swap3A_400 = arith.index_cast %add3A_395 : i32 to index
        %swap3A_401 = tpu.vector_load %arg5[%swap3A_398, %swap3A_399, %swap3A_400] {strides = array<i32>} : memref<2x8x4096xf32, #tpu.memory_space<vmem>>, vector<1x1x16xf32>,
        %swap3A_402 = vector.shape_cast %swap3A_401 : vector<1x1x16xf32> to vector<16xf32>
        %swap3A_403 = vector.shape_cast %broadcast_in_dim3A_80 : vector<16xf32> to vector<1x1x16xf32>
        tpu.vector_store %arg5[%swap3A_398, %swap3A_399, %swap3A_400], %swap3A_403 {strides = array<i32>} : memref<2x8x4096xf32, #tpu.memory_space<vmem>>, vector<1x1x16xf32>,
        %add3A_404 = arith.constant 112 : i32
        %add3A_405 = arith.addi %mul3A_334, %add3A_404 : i32
        %swap3A_406 = arith.constant 0 : i32
        %swap3A_407 = arith.constant 2 : i32
        %swap3A_408 = arith.index_cast %swap3A_406 : i32 to index
        %swap3A_409 = arith.index_cast %swap3A_407 : i32 to index
        %swap3A_410 = arith.index_cast %add3A_405 : i32 to index
        %swap3A_411 = tpu.vector_load %arg5[%swap3A_408, %swap3A_409, %swap3A_410] {strides = array<i32>} : memref<2x8x4096xf32, #tpu.memory_space<vmem>>, vector<1x1x16xf32>,
        %swap3A_412 = vector.shape_cast %swap3A_411 : vector<1x1x16xf32> to vector<16xf32>
        %swap3A_413 = vector.shape_cast %broadcast_in_dim3A_80 : vector<16xf32> to vector<1x1x16xf32>
        tpu.vector_store %arg5[%swap3A_408, %swap3A_409, %swap3A_410], %swap3A_413 {strides = array<i32>} : memref<2x8x4096xf32, #tpu.memory_space<vmem>>, vector<1x1x16xf32>,
      }
      %scan3A_86 = arith.constant 32 : i32
      %mul3A_87 = arith.constant 8 : i32
      %mul3A_88 = arith.muli %add3A_37, %mul3A_87 : i32
      %add3A_89 = arith.constant 3 : i32
      %add3A_90 = arith.addi %mul3A_88, %add3A_89 : i32
      %get3A_91 = arith.index_cast %add3A_90 : i32 to index
      %get3A_92 = tpu.vector_load %arg4[%get3A_91] {strides = array<i32>} : memref<416xf32, #tpu.memory_space<vmem>>, vector<16xf32>,
      %get3A_93 = vector.shape_cast %get3A_92 : vector<16xf32> to vector<16xf32>
      %slice3A_94 = vector.extract_strided_slice %get3A_93 {offsets = [0], sizes = [1], strides = [1]} : vector<16xf32> to vector<1xf32>
      %squeeze3A_95 = vector.extract %slice3A_94[0] : f32 from vector<1xf32>
      %broadcast_in_dim3A_96 = vector.broadcast %squeeze3A_95 : f32 to vector<16xf32>
      %scan3A_97 = arith.constant 0 : i32
      %scan3A_98 = arith.constant 0 : i32
      %scan3A_99 = arith.constant 32 : i32
      %scan3A_100 = arith.addi %scan3A_98, %scan3A_99 : i32
      %scan3A_101 = arith.constant 1 : i32
      scf.for %scan3A_332 = %scan3A_98 to %scan3A_100 step %scan3A_101  : i32 {
        %mul3A_333 = arith.constant 128 : i32
        %mul3A_334 = arith.muli %scan3A_332, %mul3A_333 : i32
        %add3A_335 = arith.constant 0 : i32
        %add3A_336 = arith.addi %mul3A_334, %add3A_335 : i32
        %swap3A = arith.constant 0 : i32
        %swap3A_337 = arith.constant 3 : i32
        %swap3A_338 = arith.index_cast %swap3A : i32 to index
        %swap3A_339 = arith.index_cast %swap3A_337 : i32 to index
        %swap3A_340 = arith.index_cast %add3A_336 : i32 to index
        %swap3A_341 = tpu.vector_load %arg5[%swap3A_338, %swap3A_339, %swap3A_340] {strides = array<i32>} : memref<2x8x4096xf32, #tpu.memory_space<vmem>>, vector<1x1x16xf32>,
        %swap3A_342 = vector.shape_cast %swap3A_341 : vector<1x1x16xf32> to vector<16xf32>
        %swap3A_343 = vector.shape_cast %broadcast_in_dim3A_96 : vector<16xf32> to vector<1x1x16xf32>
        tpu.vector_store %arg5[%swap3A_338, %swap3A_339, %swap3A_340], %swap3A_343 {strides = array<i32>} : memref<2x8x4096xf32, #tpu.memory_space<vmem>>, vector<1x1x16xf32>,
        %add3A_344 = arith.constant 16 : i32
        %add3A_345 = arith.addi %mul3A_334, %add3A_344 : i32
        %swap3A_346 = arith.constant 0 : i32
        %swap3A_347 = arith.constant 3 : i32
        %swap3A_348 = arith.index_cast %swap3A_346 : i32 to index
        %swap3A_349 = arith.index_cast %swap3A_347 : i32 to index
        %swap3A_350 = arith.index_cast %add3A_345 : i32 to index
        %swap3A_351 = tpu.vector_load %arg5[%swap3A_348, %swap3A_349, %swap3A_350] {strides = array<i32>} : memref<2x8x4096xf32, #tpu.memory_space<vmem>>, vector<1x1x16xf32>,
        %swap3A_352 = vector.shape_cast %swap3A_351 : vector<1x1x16xf32> to vector<16xf32>
        %swap3A_353 = vector.shape_cast %broadcast_in_dim3A_96 : vector<16xf32> to vector<1x1x16xf32>
        tpu.vector_store %arg5[%swap3A_348, %swap3A_349, %swap3A_350], %swap3A_353 {strides = array<i32>} : memref<2x8x4096xf32, #tpu.memory_space<vmem>>, vector<1x1x16xf32>,
        %add3A_354 = arith.constant 32 : i32
        %add3A_355 = arith.addi %mul3A_334, %add3A_354 : i32
        %swap3A_356 = arith.constant 0 : i32
        %swap3A_357 = arith.constant 3 : i32
        %swap3A_358 = arith.index_cast %swap3A_356 : i32 to index
        %swap3A_359 = arith.index_cast %swap3A_357 : i32 to index
        %swap3A_360 = arith.index_cast %add3A_355 : i32 to index
        %swap3A_361 = tpu.vector_load %arg5[%swap3A_358, %swap3A_359, %swap3A_360] {strides = array<i32>} : memref<2x8x4096xf32, #tpu.memory_space<vmem>>, vector<1x1x16xf32>,
        %swap3A_362 = vector.shape_cast %swap3A_361 : vector<1x1x16xf32> to vector<16xf32>
        %swap3A_363 = vector.shape_cast %broadcast_in_dim3A_96 : vector<16xf32> to vector<1x1x16xf32>
        tpu.vector_store %arg5[%swap3A_358, %swap3A_359, %swap3A_360], %swap3A_363 {strides = array<i32>} : memref<2x8x4096xf32, #tpu.memory_space<vmem>>, vector<1x1x16xf32>,
        %add3A_364 = arith.constant 48 : i32
        %add3A_365 = arith.addi %mul3A_334, %add3A_364 : i32
        %swap3A_366 = arith.constant 0 : i32
        %swap3A_367 = arith.constant 3 : i32
        %swap3A_368 = arith.index_cast %swap3A_366 : i32 to index
        %swap3A_369 = arith.index_cast %swap3A_367 : i32 to index
        %swap3A_370 = arith.index_cast %add3A_365 : i32 to index
        %swap3A_371 = tpu.vector_load %arg5[%swap3A_368, %swap3A_369, %swap3A_370] {strides = array<i32>} : memref<2x8x4096xf32, #tpu.memory_space<vmem>>, vector<1x1x16xf32>,
        %swap3A_372 = vector.shape_cast %swap3A_371 : vector<1x1x16xf32> to vector<16xf32>
        %swap3A_373 = vector.shape_cast %broadcast_in_dim3A_96 : vector<16xf32> to vector<1x1x16xf32>
        tpu.vector_store %arg5[%swap3A_368, %swap3A_369, %swap3A_370], %swap3A_373 {strides = array<i32>} : memref<2x8x4096xf32, #tpu.memory_space<vmem>>, vector<1x1x16xf32>,
        %add3A_374 = arith.constant 64 : i32
        %add3A_375 = arith.addi %mul3A_334, %add3A_374 : i32
        %swap3A_376 = arith.constant 0 : i32
        %swap3A_377 = arith.constant 3 : i32
        %swap3A_378 = arith.index_cast %swap3A_376 : i32 to index
        %swap3A_379 = arith.index_cast %swap3A_377 : i32 to index
        %swap3A_380 = arith.index_cast %add3A_375 : i32 to index
        %swap3A_381 = tpu.vector_load %arg5[%swap3A_378, %swap3A_379, %swap3A_380] {strides = array<i32>} : memref<2x8x4096xf32, #tpu.memory_space<vmem>>, vector<1x1x16xf32>,
        %swap3A_382 = vector.shape_cast %swap3A_381 : vector<1x1x16xf32> to vector<16xf32>
        %swap3A_383 = vector.shape_cast %broadcast_in_dim3A_96 : vector<16xf32> to vector<1x1x16xf32>
        tpu.vector_store %arg5[%swap3A_378, %swap3A_379, %swap3A_380], %swap3A_383 {strides = array<i32>} : memref<2x8x4096xf32, #tpu.memory_space<vmem>>, vector<1x1x16xf32>,
        %add3A_384 = arith.constant 80 : i32
        %add3A_385 = arith.addi %mul3A_334, %add3A_384 : i32
        %swap3A_386 = arith.constant 0 : i32
        %swap3A_387 = arith.constant 3 : i32
        %swap3A_388 = arith.index_cast %swap3A_386 : i32 to index
        %swap3A_389 = arith.index_cast %swap3A_387 : i32 to index
        %swap3A_390 = arith.index_cast %add3A_385 : i32 to index
        %swap3A_391 = tpu.vector_load %arg5[%swap3A_388, %swap3A_389, %swap3A_390] {strides = array<i32>} : memref<2x8x4096xf32, #tpu.memory_space<vmem>>, vector<1x1x16xf32>,
        %swap3A_392 = vector.shape_cast %swap3A_391 : vector<1x1x16xf32> to vector<16xf32>
        %swap3A_393 = vector.shape_cast %broadcast_in_dim3A_96 : vector<16xf32> to vector<1x1x16xf32>
        tpu.vector_store %arg5[%swap3A_388, %swap3A_389, %swap3A_390], %swap3A_393 {strides = array<i32>} : memref<2x8x4096xf32, #tpu.memory_space<vmem>>, vector<1x1x16xf32>,
        %add3A_394 = arith.constant 96 : i32
        %add3A_395 = arith.addi %mul3A_334, %add3A_394 : i32
        %swap3A_396 = arith.constant 0 : i32
        %swap3A_397 = arith.constant 3 : i32
        %swap3A_398 = arith.index_cast %swap3A_396 : i32 to index
        %swap3A_399 = arith.index_cast %swap3A_397 : i32 to index
        %swap3A_400 = arith.index_cast %add3A_395 : i32 to index
        %swap3A_401 = tpu.vector_load %arg5[%swap3A_398, %swap3A_399, %swap3A_400] {strides = array<i32>} : memref<2x8x4096xf32, #tpu.memory_space<vmem>>, vector<1x1x16xf32>,
        %swap3A_402 = vector.shape_cast %swap3A_401 : vector<1x1x16xf32> to vector<16xf32>
        %swap3A_403 = vector.shape_cast %broadcast_in_dim3A_96 : vector<16xf32> to vector<1x1x16xf32>
        tpu.vector_store %arg5[%swap3A_398, %swap3A_399, %swap3A_400], %swap3A_403 {strides = array<i32>} : memref<2x8x4096xf32, #tpu.memory_space<vmem>>, vector<1x1x16xf32>,
        %add3A_404 = arith.constant 112 : i32
        %add3A_405 = arith.addi %mul3A_334, %add3A_404 : i32
        %swap3A_406 = arith.constant 0 : i32
        %swap3A_407 = arith.constant 3 : i32
        %swap3A_408 = arith.index_cast %swap3A_406 : i32 to index
        %swap3A_409 = arith.index_cast %swap3A_407 : i32 to index
        %swap3A_410 = arith.index_cast %add3A_405 : i32 to index
        %swap3A_411 = tpu.vector_load %arg5[%swap3A_408, %swap3A_409, %swap3A_410] {strides = array<i32>} : memref<2x8x4096xf32, #tpu.memory_space<vmem>>, vector<1x1x16xf32>,
        %swap3A_412 = vector.shape_cast %swap3A_411 : vector<1x1x16xf32> to vector<16xf32>
        %swap3A_413 = vector.shape_cast %broadcast_in_dim3A_96 : vector<16xf32> to vector<1x1x16xf32>
        tpu.vector_store %arg5[%swap3A_408, %swap3A_409, %swap3A_410], %swap3A_413 {strides = array<i32>} : memref<2x8x4096xf32, #tpu.memory_space<vmem>>, vector<1x1x16xf32>,
      }
      %scan3A_102 = arith.constant 32 : i32
      %mul3A_103 = arith.constant 8 : i32
      %mul3A_104 = arith.muli %add3A_37, %mul3A_103 : i32
      %add3A_105 = arith.constant 4 : i32
      %add3A_106 = arith.addi %mul3A_104, %add3A_105 : i32
      %get3A_107 = arith.index_cast %add3A_106 : i32 to index
      %get3A_108 = tpu.vector_load %arg4[%get3A_107] {strides = array<i32>} : memref<416xf32, #tpu.memory_space<vmem>>, vector<16xf32>,
      %get3A_109 = vector.shape_cast %get3A_108 : vector<16xf32> to vector<16xf32>
      %slice3A_110 = vector.extract_strided_slice %get3A_109 {offsets = [0], sizes = [1], strides = [1]} : vector<16xf32> to vector<1xf32>
      %squeeze3A_111 = vector.extract %slice3A_110[0] : f32 from vector<1xf32>
      %broadcast_in_dim3A_112 = vector.broadcast %squeeze3A_111 : f32 to vector<16xf32>
      %scan3A_113 = arith.constant 0 : i32
      %scan3A_114 = arith.constant 0 : i32
      %scan3A_115 = arith.constant 32 : i32
      %scan3A_116 = arith.addi %scan3A_114, %scan3A_115 : i32
      %scan3A_117 = arith.constant 1 : i32
      scf.for %scan3A_332 = %scan3A_114 to %scan3A_116 step %scan3A_117  : i32 {
        %mul3A_333 = arith.constant 128 : i32
        %mul3A_334 = arith.muli %scan3A_332, %mul3A_333 : i32
        %add3A_335 = arith.constant 0 : i32
        %add3A_336 = arith.addi %mul3A_334, %add3A_335 : i32
        %swap3A = arith.constant 0 : i32
        %swap3A_337 = arith.constant 4 : i32
        %swap3A_338 = arith.index_cast %swap3A : i32 to index
        %swap3A_339 = arith.index_cast %swap3A_337 : i32 to index
        %swap3A_340 = arith.index_cast %add3A_336 : i32 to index
        %swap3A_341 = tpu.vector_load %arg5[%swap3A_338, %swap3A_339, %swap3A_340] {strides = array<i32>} : memref<2x8x4096xf32, #tpu.memory_space<vmem>>, vector<1x1x16xf32>,
        %swap3A_342 = vector.shape_cast %swap3A_341 : vector<1x1x16xf32> to vector<16xf32>
        %swap3A_343 = vector.shape_cast %broadcast_in_dim3A_112 : vector<16xf32> to vector<1x1x16xf32>
        tpu.vector_store %arg5[%swap3A_338, %swap3A_339, %swap3A_340], %swap3A_343 {strides = array<i32>} : memref<2x8x4096xf32, #tpu.memory_space<vmem>>, vector<1x1x16xf32>,
        %add3A_344 = arith.constant 16 : i32
        %add3A_345 = arith.addi %mul3A_334, %add3A_344 : i32
        %swap3A_346 = arith.constant 0 : i32
        %swap3A_347 = arith.constant 4 : i32
        %swap3A_348 = arith.index_cast %swap3A_346 : i32 to index
        %swap3A_349 = arith.index_cast %swap3A_347 : i32 to index
        %swap3A_350 = arith.index_cast %add3A_345 : i32 to index
        %swap3A_351 = tpu.vector_load %arg5[%swap3A_348, %swap3A_349, %swap3A_350] {strides = array<i32>} : memref<2x8x4096xf32, #tpu.memory_space<vmem>>, vector<1x1x16xf32>,
        %swap3A_352 = vector.shape_cast %swap3A_351 : vector<1x1x16xf32> to vector<16xf32>
        %swap3A_353 = vector.shape_cast %broadcast_in_dim3A_112 : vector<16xf32> to vector<1x1x16xf32>
        tpu.vector_store %arg5[%swap3A_348, %swap3A_349, %swap3A_350], %swap3A_353 {strides = array<i32>} : memref<2x8x4096xf32, #tpu.memory_space<vmem>>, vector<1x1x16xf32>,
        %add3A_354 = arith.constant 32 : i32
        %add3A_355 = arith.addi %mul3A_334, %add3A_354 : i32
        %swap3A_356 = arith.constant 0 : i32
        %swap3A_357 = arith.constant 4 : i32
        %swap3A_358 = arith.index_cast %swap3A_356 : i32 to index
        %swap3A_359 = arith.index_cast %swap3A_357 : i32 to index
        %swap3A_360 = arith.index_cast %add3A_355 : i32 to index
        %swap3A_361 = tpu.vector_load %arg5[%swap3A_358, %swap3A_359, %swap3A_360] {strides = array<i32>} : memref<2x8x4096xf32, #tpu.memory_space<vmem>>, vector<1x1x16xf32>,
        %swap3A_362 = vector.shape_cast %swap3A_361 : vector<1x1x16xf32> to vector<16xf32>
        %swap3A_363 = vector.shape_cast %broadcast_in_dim3A_112 : vector<16xf32> to vector<1x1x16xf32>
        tpu.vector_store %arg5[%swap3A_358, %swap3A_359, %swap3A_360], %swap3A_363 {strides = array<i32>} : memref<2x8x4096xf32, #tpu.memory_space<vmem>>, vector<1x1x16xf32>,
        %add3A_364 = arith.constant 48 : i32
        %add3A_365 = arith.addi %mul3A_334, %add3A_364 : i32
        %swap3A_366 = arith.constant 0 : i32
        %swap3A_367 = arith.constant 4 : i32
        %swap3A_368 = arith.index_cast %swap3A_366 : i32 to index
        %swap3A_369 = arith.index_cast %swap3A_367 : i32 to index
        %swap3A_370 = arith.index_cast %add3A_365 : i32 to index
        %swap3A_371 = tpu.vector_load %arg5[%swap3A_368, %swap3A_369, %swap3A_370] {strides = array<i32>} : memref<2x8x4096xf32, #tpu.memory_space<vmem>>, vector<1x1x16xf32>,
        %swap3A_372 = vector.shape_cast %swap3A_371 : vector<1x1x16xf32> to vector<16xf32>
        %swap3A_373 = vector.shape_cast %broadcast_in_dim3A_112 : vector<16xf32> to vector<1x1x16xf32>
        tpu.vector_store %arg5[%swap3A_368, %swap3A_369, %swap3A_370], %swap3A_373 {strides = array<i32>} : memref<2x8x4096xf32, #tpu.memory_space<vmem>>, vector<1x1x16xf32>,
        %add3A_374 = arith.constant 64 : i32
        %add3A_375 = arith.addi %mul3A_334, %add3A_374 : i32
        %swap3A_376 = arith.constant 0 : i32
        %swap3A_377 = arith.constant 4 : i32
        %swap3A_378 = arith.index_cast %swap3A_376 : i32 to index
        %swap3A_379 = arith.index_cast %swap3A_377 : i32 to index
        %swap3A_380 = arith.index_cast %add3A_375 : i32 to index
        %swap3A_381 = tpu.vector_load %arg5[%swap3A_378, %swap3A_379, %swap3A_380] {strides = array<i32>} : memref<2x8x4096xf32, #tpu.memory_space<vmem>>, vector<1x1x16xf32>,
        %swap3A_382 = vector.shape_cast %swap3A_381 : vector<1x1x16xf32> to vector<16xf32>
        %swap3A_383 = vector.shape_cast %broadcast_in_dim3A_112 : vector<16xf32> to vector<1x1x16xf32>
        tpu.vector_store %arg5[%swap3A_378, %swap3A_379, %swap3A_380], %swap3A_383 {strides = array<i32>} : memref<2x8x4096xf32, #tpu.memory_space<vmem>>, vector<1x1x16xf32>,
        %add3A_384 = arith.constant 80 : i32
        %add3A_385 = arith.addi %mul3A_334, %add3A_384 : i32
        %swap3A_386 = arith.constant 0 : i32
        %swap3A_387 = arith.constant 4 : i32
        %swap3A_388 = arith.index_cast %swap3A_386 : i32 to index
        %swap3A_389 = arith.index_cast %swap3A_387 : i32 to index
        %swap3A_390 = arith.index_cast %add3A_385 : i32 to index
        %swap3A_391 = tpu.vector_load %arg5[%swap3A_388, %swap3A_389, %swap3A_390] {strides = array<i32>} : memref<2x8x4096xf32, #tpu.memory_space<vmem>>, vector<1x1x16xf32>,
        %swap3A_392 = vector.shape_cast %swap3A_391 : vector<1x1x16xf32> to vector<16xf32>
        %swap3A_393 = vector.shape_cast %broadcast_in_dim3A_112 : vector<16xf32> to vector<1x1x16xf32>
        tpu.vector_store %arg5[%swap3A_388, %swap3A_389, %swap3A_390], %swap3A_393 {strides = array<i32>} : memref<2x8x4096xf32, #tpu.memory_space<vmem>>, vector<1x1x16xf32>,
        %add3A_394 = arith.constant 96 : i32
        %add3A_395 = arith.addi %mul3A_334, %add3A_394 : i32
        %swap3A_396 = arith.constant 0 : i32
        %swap3A_397 = arith.constant 4 : i32
        %swap3A_398 = arith.index_cast %swap3A_396 : i32 to index
        %swap3A_399 = arith.index_cast %swap3A_397 : i32 to index
        %swap3A_400 = arith.index_cast %add3A_395 : i32 to index
        %swap3A_401 = tpu.vector_load %arg5[%swap3A_398, %swap3A_399, %swap3A_400] {strides = array<i32>} : memref<2x8x4096xf32, #tpu.memory_space<vmem>>, vector<1x1x16xf32>,
        %swap3A_402 = vector.shape_cast %swap3A_401 : vector<1x1x16xf32> to vector<16xf32>
        %swap3A_403 = vector.shape_cast %broadcast_in_dim3A_112 : vector<16xf32> to vector<1x1x16xf32>
        tpu.vector_store %arg5[%swap3A_398, %swap3A_399, %swap3A_400], %swap3A_403 {strides = array<i32>} : memref<2x8x4096xf32, #tpu.memory_space<vmem>>, vector<1x1x16xf32>,
        %add3A_404 = arith.constant 112 : i32
        %add3A_405 = arith.addi %mul3A_334, %add3A_404 : i32
        %swap3A_406 = arith.constant 0 : i32
        %swap3A_407 = arith.constant 4 : i32
        %swap3A_408 = arith.index_cast %swap3A_406 : i32 to index
        %swap3A_409 = arith.index_cast %swap3A_407 : i32 to index
        %swap3A_410 = arith.index_cast %add3A_405 : i32 to index
        %swap3A_411 = tpu.vector_load %arg5[%swap3A_408, %swap3A_409, %swap3A_410] {strides = array<i32>} : memref<2x8x4096xf32, #tpu.memory_space<vmem>>, vector<1x1x16xf32>,
        %swap3A_412 = vector.shape_cast %swap3A_411 : vector<1x1x16xf32> to vector<16xf32>
        %swap3A_413 = vector.shape_cast %broadcast_in_dim3A_112 : vector<16xf32> to vector<1x1x16xf32>
        tpu.vector_store %arg5[%swap3A_408, %swap3A_409, %swap3A_410], %swap3A_413 {strides = array<i32>} : memref<2x8x4096xf32, #tpu.memory_space<vmem>>, vector<1x1x16xf32>,
      }
      %scan3A_118 = arith.constant 32 : i32
      %mul3A_119 = arith.constant 8 : i32
      %mul3A_120 = arith.muli %add3A_37, %mul3A_119 : i32
      %add3A_121 = arith.constant 5 : i32
      %add3A_122 = arith.addi %mul3A_120, %add3A_121 : i32
      %get3A_123 = arith.index_cast %add3A_122 : i32 to index
      %get3A_124 = tpu.vector_load %arg4[%get3A_123] {strides = array<i32>} : memref<416xf32, #tpu.memory_space<vmem>>, vector<16xf32>,
      %get3A_125 = vector.shape_cast %get3A_124 : vector<16xf32> to vector<16xf32>
      %slice3A_126 = vector.extract_strided_slice %get3A_125 {offsets = [0], sizes = [1], strides = [1]} : vector<16xf32> to vector<1xf32>
      %squeeze3A_127 = vector.extract %slice3A_126[0] : f32 from vector<1xf32>
      %broadcast_in_dim3A_128 = vector.broadcast %squeeze3A_127 : f32 to vector<16xf32>
      %scan3A_129 = arith.constant 0 : i32
      %scan3A_130 = arith.constant 0 : i32
      %scan3A_131 = arith.constant 32 : i32
      %scan3A_132 = arith.addi %scan3A_130, %scan3A_131 : i32
      %scan3A_133 = arith.constant 1 : i32
      scf.for %scan3A_332 = %scan3A_130 to %scan3A_132 step %scan3A_133  : i32 {
        %mul3A_333 = arith.constant 128 : i32
        %mul3A_334 = arith.muli %scan3A_332, %mul3A_333 : i32
        %add3A_335 = arith.constant 0 : i32
        %add3A_336 = arith.addi %mul3A_334, %add3A_335 : i32
        %swap3A = arith.constant 0 : i32
        %swap3A_337 = arith.constant 5 : i32
        %swap3A_338 = arith.index_cast %swap3A : i32 to index
        %swap3A_339 = arith.index_cast %swap3A_337 : i32 to index
        %swap3A_340 = arith.index_cast %add3A_336 : i32 to index
        %swap3A_341 = tpu.vector_load %arg5[%swap3A_338, %swap3A_339, %swap3A_340] {strides = array<i32>} : memref<2x8x4096xf32, #tpu.memory_space<vmem>>, vector<1x1x16xf32>,
        %swap3A_342 = vector.shape_cast %swap3A_341 : vector<1x1x16xf32> to vector<16xf32>
        %swap3A_343 = vector.shape_cast %broadcast_in_dim3A_128 : vector<16xf32> to vector<1x1x16xf32>
        tpu.vector_store %arg5[%swap3A_338, %swap3A_339, %swap3A_340], %swap3A_343 {strides = array<i32>} : memref<2x8x4096xf32, #tpu.memory_space<vmem>>, vector<1x1x16xf32>,
        %add3A_344 = arith.constant 16 : i32
        %add3A_345 = arith.addi %mul3A_334, %add3A_344 : i32
        %swap3A_346 = arith.constant 0 : i32
        %swap3A_347 = arith.constant 5 : i32
        %swap3A_348 = arith.index_cast %swap3A_346 : i32 to index
        %swap3A_349 = arith.index_cast %swap3A_347 : i32 to index
        %swap3A_350 = arith.index_cast %add3A_345 : i32 to index
        %swap3A_351 = tpu.vector_load %arg5[%swap3A_348, %swap3A_349, %swap3A_350] {strides = array<i32>} : memref<2x8x4096xf32, #tpu.memory_space<vmem>>, vector<1x1x16xf32>,
        %swap3A_352 = vector.shape_cast %swap3A_351 : vector<1x1x16xf32> to vector<16xf32>
        %swap3A_353 = vector.shape_cast %broadcast_in_dim3A_128 : vector<16xf32> to vector<1x1x16xf32>
        tpu.vector_store %arg5[%swap3A_348, %swap3A_349, %swap3A_350], %swap3A_353 {strides = array<i32>} : memref<2x8x4096xf32, #tpu.memory_space<vmem>>, vector<1x1x16xf32>,
        %add3A_354 = arith.constant 32 : i32
        %add3A_355 = arith.addi %mul3A_334, %add3A_354 : i32
        %swap3A_356 = arith.constant 0 : i32
        %swap3A_357 = arith.constant 5 : i32
        %swap3A_358 = arith.index_cast %swap3A_356 : i32 to index
        %swap3A_359 = arith.index_cast %swap3A_357 : i32 to index
        %swap3A_360 = arith.index_cast %add3A_355 : i32 to index
        %swap3A_361 = tpu.vector_load %arg5[%swap3A_358, %swap3A_359, %swap3A_360] {strides = array<i32>} : memref<2x8x4096xf32, #tpu.memory_space<vmem>>, vector<1x1x16xf32>,
        %swap3A_362 = vector.shape_cast %swap3A_361 : vector<1x1x16xf32> to vector<16xf32>
        %swap3A_363 = vector.shape_cast %broadcast_in_dim3A_128 : vector<16xf32> to vector<1x1x16xf32>
        tpu.vector_store %arg5[%swap3A_358, %swap3A_359, %swap3A_360], %swap3A_363 {strides = array<i32>} : memref<2x8x4096xf32, #tpu.memory_space<vmem>>, vector<1x1x16xf32>,
        %add3A_364 = arith.constant 48 : i32
        %add3A_365 = arith.addi %mul3A_334, %add3A_364 : i32
        %swap3A_366 = arith.constant 0 : i32
        %swap3A_367 = arith.constant 5 : i32
        %swap3A_368 = arith.index_cast %swap3A_366 : i32 to index
        %swap3A_369 = arith.index_cast %swap3A_367 : i32 to index
        %swap3A_370 = arith.index_cast %add3A_365 : i32 to index
        %swap3A_371 = tpu.vector_load %arg5[%swap3A_368, %swap3A_369, %swap3A_370] {strides = array<i32>} : memref<2x8x4096xf32, #tpu.memory_space<vmem>>, vector<1x1x16xf32>,
        %swap3A_372 = vector.shape_cast %swap3A_371 : vector<1x1x16xf32> to vector<16xf32>
        %swap3A_373 = vector.shape_cast %broadcast_in_dim3A_128 : vector<16xf32> to vector<1x1x16xf32>
        tpu.vector_store %arg5[%swap3A_368, %swap3A_369, %swap3A_370], %swap3A_373 {strides = array<i32>} : memref<2x8x4096xf32, #tpu.memory_space<vmem>>, vector<1x1x16xf32>,
        %add3A_374 = arith.constant 64 : i32
        %add3A_375 = arith.addi %mul3A_334, %add3A_374 : i32
        %swap3A_376 = arith.constant 0 : i32
        %swap3A_377 = arith.constant 5 : i32
        %swap3A_378 = arith.index_cast %swap3A_376 : i32 to index
        %swap3A_379 = arith.index_cast %swap3A_377 : i32 to index
        %swap3A_380 = arith.index_cast %add3A_375 : i32 to index
        %swap3A_381 = tpu.vector_load %arg5[%swap3A_378, %swap3A_379, %swap3A_380] {strides = array<i32>} : memref<2x8x4096xf32, #tpu.memory_space<vmem>>, vector<1x1x16xf32>,
        %swap3A_382 = vector.shape_cast %swap3A_381 : vector<1x1x16xf32> to vector<16xf32>
        %swap3A_383 = vector.shape_cast %broadcast_in_dim3A_128 : vector<16xf32> to vector<1x1x16xf32>
        tpu.vector_store %arg5[%swap3A_378, %swap3A_379, %swap3A_380], %swap3A_383 {strides = array<i32>} : memref<2x8x4096xf32, #tpu.memory_space<vmem>>, vector<1x1x16xf32>,
        %add3A_384 = arith.constant 80 : i32
        %add3A_385 = arith.addi %mul3A_334, %add3A_384 : i32
        %swap3A_386 = arith.constant 0 : i32
        %swap3A_387 = arith.constant 5 : i32
        %swap3A_388 = arith.index_cast %swap3A_386 : i32 to index
        %swap3A_389 = arith.index_cast %swap3A_387 : i32 to index
        %swap3A_390 = arith.index_cast %add3A_385 : i32 to index
        %swap3A_391 = tpu.vector_load %arg5[%swap3A_388, %swap3A_389, %swap3A_390] {strides = array<i32>} : memref<2x8x4096xf32, #tpu.memory_space<vmem>>, vector<1x1x16xf32>,
        %swap3A_392 = vector.shape_cast %swap3A_391 : vector<1x1x16xf32> to vector<16xf32>
        %swap3A_393 = vector.shape_cast %broadcast_in_dim3A_128 : vector<16xf32> to vector<1x1x16xf32>
        tpu.vector_store %arg5[%swap3A_388, %swap3A_389, %swap3A_390], %swap3A_393 {strides = array<i32>} : memref<2x8x4096xf32, #tpu.memory_space<vmem>>, vector<1x1x16xf32>,
        %add3A_394 = arith.constant 96 : i32
        %add3A_395 = arith.addi %mul3A_334, %add3A_394 : i32
        %swap3A_396 = arith.constant 0 : i32
        %swap3A_397 = arith.constant 5 : i32
        %swap3A_398 = arith.index_cast %swap3A_396 : i32 to index
        %swap3A_399 = arith.index_cast %swap3A_397 : i32 to index
        %swap3A_400 = arith.index_cast %add3A_395 : i32 to index
        %swap3A_401 = tpu.vector_load %arg5[%swap3A_398, %swap3A_399, %swap3A_400] {strides = array<i32>} : memref<2x8x4096xf32, #tpu.memory_space<vmem>>, vector<1x1x16xf32>,
        %swap3A_402 = vector.shape_cast %swap3A_401 : vector<1x1x16xf32> to vector<16xf32>
        %swap3A_403 = vector.shape_cast %broadcast_in_dim3A_128 : vector<16xf32> to vector<1x1x16xf32>
        tpu.vector_store %arg5[%swap3A_398, %swap3A_399, %swap3A_400], %swap3A_403 {strides = array<i32>} : memref<2x8x4096xf32, #tpu.memory_space<vmem>>, vector<1x1x16xf32>,
        %add3A_404 = arith.constant 112 : i32
        %add3A_405 = arith.addi %mul3A_334, %add3A_404 : i32
        %swap3A_406 = arith.constant 0 : i32
        %swap3A_407 = arith.constant 5 : i32
        %swap3A_408 = arith.index_cast %swap3A_406 : i32 to index
        %swap3A_409 = arith.index_cast %swap3A_407 : i32 to index
        %swap3A_410 = arith.index_cast %add3A_405 : i32 to index
        %swap3A_411 = tpu.vector_load %arg5[%swap3A_408, %swap3A_409, %swap3A_410] {strides = array<i32>} : memref<2x8x4096xf32, #tpu.memory_space<vmem>>, vector<1x1x16xf32>,
        %swap3A_412 = vector.shape_cast %swap3A_411 : vector<1x1x16xf32> to vector<16xf32>
        %swap3A_413 = vector.shape_cast %broadcast_in_dim3A_128 : vector<16xf32> to vector<1x1x16xf32>
        tpu.vector_store %arg5[%swap3A_408, %swap3A_409, %swap3A_410], %swap3A_413 {strides = array<i32>} : memref<2x8x4096xf32, #tpu.memory_space<vmem>>, vector<1x1x16xf32>,
      }
      %scan3A_134 = arith.constant 32 : i32
      %mul3A_135 = arith.constant 8 : i32
      %mul3A_136 = arith.muli %add3A_37, %mul3A_135 : i32
      %add3A_137 = arith.constant 6 : i32
      %add3A_138 = arith.addi %mul3A_136, %add3A_137 : i32
      %get3A_139 = arith.index_cast %add3A_138 : i32 to index
      %get3A_140 = tpu.vector_load %arg4[%get3A_139] {strides = array<i32>} : memref<416xf32, #tpu.memory_space<vmem>>, vector<16xf32>,
      %get3A_141 = vector.shape_cast %get3A_140 : vector<16xf32> to vector<16xf32>
      %slice3A_142 = vector.extract_strided_slice %get3A_141 {offsets = [0], sizes = [1], strides = [1]} : vector<16xf32> to vector<1xf32>
      %squeeze3A_143 = vector.extract %slice3A_142[0] : f32 from vector<1xf32>
      %broadcast_in_dim3A_144 = vector.broadcast %squeeze3A_143 : f32 to vector<16xf32>
      %scan3A_145 = arith.constant 0 : i32
      %scan3A_146 = arith.constant 0 : i32
      %scan3A_147 = arith.constant 32 : i32
      %scan3A_148 = arith.addi %scan3A_146, %scan3A_147 : i32
      %scan3A_149 = arith.constant 1 : i32
      scf.for %scan3A_332 = %scan3A_146 to %scan3A_148 step %scan3A_149  : i32 {
        %mul3A_333 = arith.constant 128 : i32
        %mul3A_334 = arith.muli %scan3A_332, %mul3A_333 : i32
        %add3A_335 = arith.constant 0 : i32
        %add3A_336 = arith.addi %mul3A_334, %add3A_335 : i32
        %swap3A = arith.constant 0 : i32
        %swap3A_337 = arith.constant 6 : i32
        %swap3A_338 = arith.index_cast %swap3A : i32 to index
        %swap3A_339 = arith.index_cast %swap3A_337 : i32 to index
        %swap3A_340 = arith.index_cast %add3A_336 : i32 to index
        %swap3A_341 = tpu.vector_load %arg5[%swap3A_338, %swap3A_339, %swap3A_340] {strides = array<i32>} : memref<2x8x4096xf32, #tpu.memory_space<vmem>>, vector<1x1x16xf32>,
        %swap3A_342 = vector.shape_cast %swap3A_341 : vector<1x1x16xf32> to vector<16xf32>
        %swap3A_343 = vector.shape_cast %broadcast_in_dim3A_144 : vector<16xf32> to vector<1x1x16xf32>
        tpu.vector_store %arg5[%swap3A_338, %swap3A_339, %swap3A_340], %swap3A_343 {strides = array<i32>} : memref<2x8x4096xf32, #tpu.memory_space<vmem>>, vector<1x1x16xf32>,
        %add3A_344 = arith.constant 16 : i32
        %add3A_345 = arith.addi %mul3A_334, %add3A_344 : i32
        %swap3A_346 = arith.constant 0 : i32
        %swap3A_347 = arith.constant 6 : i32
        %swap3A_348 = arith.index_cast %swap3A_346 : i32 to index
        %swap3A_349 = arith.index_cast %swap3A_347 : i32 to index
        %swap3A_350 = arith.index_cast %add3A_345 : i32 to index
        %swap3A_351 = tpu.vector_load %arg5[%swap3A_348, %swap3A_349, %swap3A_350] {strides = array<i32>} : memref<2x8x4096xf32, #tpu.memory_space<vmem>>, vector<1x1x16xf32>,
        %swap3A_352 = vector.shape_cast %swap3A_351 : vector<1x1x16xf32> to vector<16xf32>
        %swap3A_353 = vector.shape_cast %broadcast_in_dim3A_144 : vector<16xf32> to vector<1x1x16xf32>
        tpu.vector_store %arg5[%swap3A_348, %swap3A_349, %swap3A_350], %swap3A_353 {strides = array<i32>} : memref<2x8x4096xf32, #tpu.memory_space<vmem>>, vector<1x1x16xf32>,
        %add3A_354 = arith.constant 32 : i32
        %add3A_355 = arith.addi %mul3A_334, %add3A_354 : i32
        %swap3A_356 = arith.constant 0 : i32
        %swap3A_357 = arith.constant 6 : i32
        %swap3A_358 = arith.index_cast %swap3A_356 : i32 to index
        %swap3A_359 = arith.index_cast %swap3A_357 : i32 to index
        %swap3A_360 = arith.index_cast %add3A_355 : i32 to index
        %swap3A_361 = tpu.vector_load %arg5[%swap3A_358, %swap3A_359, %swap3A_360] {strides = array<i32>} : memref<2x8x4096xf32, #tpu.memory_space<vmem>>, vector<1x1x16xf32>,
        %swap3A_362 = vector.shape_cast %swap3A_361 : vector<1x1x16xf32> to vector<16xf32>
        %swap3A_363 = vector.shape_cast %broadcast_in_dim3A_144 : vector<16xf32> to vector<1x1x16xf32>
        tpu.vector_store %arg5[%swap3A_358, %swap3A_359, %swap3A_360], %swap3A_363 {strides = array<i32>} : memref<2x8x4096xf32, #tpu.memory_space<vmem>>, vector<1x1x16xf32>,
        %add3A_364 = arith.constant 48 : i32
        %add3A_365 = arith.addi %mul3A_334, %add3A_364 : i32
        %swap3A_366 = arith.constant 0 : i32
        %swap3A_367 = arith.constant 6 : i32
        %swap3A_368 = arith.index_cast %swap3A_366 : i32 to index
        %swap3A_369 = arith.index_cast %swap3A_367 : i32 to index
        %swap3A_370 = arith.index_cast %add3A_365 : i32 to index
        %swap3A_371 = tpu.vector_load %arg5[%swap3A_368, %swap3A_369, %swap3A_370] {strides = array<i32>} : memref<2x8x4096xf32, #tpu.memory_space<vmem>>, vector<1x1x16xf32>,
        %swap3A_372 = vector.shape_cast %swap3A_371 : vector<1x1x16xf32> to vector<16xf32>
        %swap3A_373 = vector.shape_cast %broadcast_in_dim3A_144 : vector<16xf32> to vector<1x1x16xf32>
        tpu.vector_store %arg5[%swap3A_368, %swap3A_369, %swap3A_370], %swap3A_373 {strides = array<i32>} : memref<2x8x4096xf32, #tpu.memory_space<vmem>>, vector<1x1x16xf32>,
        %add3A_374 = arith.constant 64 : i32
        %add3A_375 = arith.addi %mul3A_334, %add3A_374 : i32
        %swap3A_376 = arith.constant 0 : i32
        %swap3A_377 = arith.constant 6 : i32
        %swap3A_378 = arith.index_cast %swap3A_376 : i32 to index
        %swap3A_379 = arith.index_cast %swap3A_377 : i32 to index
        %swap3A_380 = arith.index_cast %add3A_375 : i32 to index
        %swap3A_381 = tpu.vector_load %arg5[%swap3A_378, %swap3A_379, %swap3A_380] {strides = array<i32>} : memref<2x8x4096xf32, #tpu.memory_space<vmem>>, vector<1x1x16xf32>,
        %swap3A_382 = vector.shape_cast %swap3A_381 : vector<1x1x16xf32> to vector<16xf32>
        %swap3A_383 = vector.shape_cast %broadcast_in_dim3A_144 : vector<16xf32> to vector<1x1x16xf32>
        tpu.vector_store %arg5[%swap3A_378, %swap3A_379, %swap3A_380], %swap3A_383 {strides = array<i32>} : memref<2x8x4096xf32, #tpu.memory_space<vmem>>, vector<1x1x16xf32>,
        %add3A_384 = arith.constant 80 : i32
        %add3A_385 = arith.addi %mul3A_334, %add3A_384 : i32
        %swap3A_386 = arith.constant 0 : i32
        %swap3A_387 = arith.constant 6 : i32
        %swap3A_388 = arith.index_cast %swap3A_386 : i32 to index
        %swap3A_389 = arith.index_cast %swap3A_387 : i32 to index
        %swap3A_390 = arith.index_cast %add3A_385 : i32 to index
        %swap3A_391 = tpu.vector_load %arg5[%swap3A_388, %swap3A_389, %swap3A_390] {strides = array<i32>} : memref<2x8x4096xf32, #tpu.memory_space<vmem>>, vector<1x1x16xf32>,
        %swap3A_392 = vector.shape_cast %swap3A_391 : vector<1x1x16xf32> to vector<16xf32>
        %swap3A_393 = vector.shape_cast %broadcast_in_dim3A_144 : vector<16xf32> to vector<1x1x16xf32>
        tpu.vector_store %arg5[%swap3A_388, %swap3A_389, %swap3A_390], %swap3A_393 {strides = array<i32>} : memref<2x8x4096xf32, #tpu.memory_space<vmem>>, vector<1x1x16xf32>,
        %add3A_394 = arith.constant 96 : i32
        %add3A_395 = arith.addi %mul3A_334, %add3A_394 : i32
        %swap3A_396 = arith.constant 0 : i32
        %swap3A_397 = arith.constant 6 : i32
        %swap3A_398 = arith.index_cast %swap3A_396 : i32 to index
        %swap3A_399 = arith.index_cast %swap3A_397 : i32 to index
        %swap3A_400 = arith.index_cast %add3A_395 : i32 to index
        %swap3A_401 = tpu.vector_load %arg5[%swap3A_398, %swap3A_399, %swap3A_400] {strides = array<i32>} : memref<2x8x4096xf32, #tpu.memory_space<vmem>>, vector<1x1x16xf32>,
        %swap3A_402 = vector.shape_cast %swap3A_401 : vector<1x1x16xf32> to vector<16xf32>
        %swap3A_403 = vector.shape_cast %broadcast_in_dim3A_144 : vector<16xf32> to vector<1x1x16xf32>
        tpu.vector_store %arg5[%swap3A_398, %swap3A_399, %swap3A_400], %swap3A_403 {strides = array<i32>} : memref<2x8x4096xf32, #tpu.memory_space<vmem>>, vector<1x1x16xf32>,
        %add3A_404 = arith.constant 112 : i32
        %add3A_405 = arith.addi %mul3A_334, %add3A_404 : i32
        %swap3A_406 = arith.constant 0 : i32
        %swap3A_407 = arith.constant 6 : i32
        %swap3A_408 = arith.index_cast %swap3A_406 : i32 to index
        %swap3A_409 = arith.index_cast %swap3A_407 : i32 to index
        %swap3A_410 = arith.index_cast %add3A_405 : i32 to index
        %swap3A_411 = tpu.vector_load %arg5[%swap3A_408, %swap3A_409, %swap3A_410] {strides = array<i32>} : memref<2x8x4096xf32, #tpu.memory_space<vmem>>, vector<1x1x16xf32>,
        %swap3A_412 = vector.shape_cast %swap3A_411 : vector<1x1x16xf32> to vector<16xf32>
        %swap3A_413 = vector.shape_cast %broadcast_in_dim3A_144 : vector<16xf32> to vector<1x1x16xf32>
        tpu.vector_store %arg5[%swap3A_408, %swap3A_409, %swap3A_410], %swap3A_413 {strides = array<i32>} : memref<2x8x4096xf32, #tpu.memory_space<vmem>>, vector<1x1x16xf32>,
      }
      %scan3A_150 = arith.constant 32 : i32
      %mul3A_151 = arith.constant 8 : i32
      %mul3A_152 = arith.muli %add3A_37, %mul3A_151 : i32
      %add3A_153 = arith.constant 7 : i32
      %add3A_154 = arith.addi %mul3A_152, %add3A_153 : i32
      %get3A_155 = arith.index_cast %add3A_154 : i32 to index
      %get3A_156 = tpu.vector_load %arg4[%get3A_155] {strides = array<i32>} : memref<416xf32, #tpu.memory_space<vmem>>, vector<16xf32>,
      %get3A_157 = vector.shape_cast %get3A_156 : vector<16xf32> to vector<16xf32>
      %slice3A_158 = vector.extract_strided_slice %get3A_157 {offsets = [0], sizes = [1], strides = [1]} : vector<16xf32> to vector<1xf32>
      %squeeze3A_159 = vector.extract %slice3A_158[0] : f32 from vector<1xf32>
      %broadcast_in_dim3A_160 = vector.broadcast %squeeze3A_159 : f32 to vector<16xf32>
      %scan3A_161 = arith.constant 0 : i32
      %scan3A_162 = arith.constant 0 : i32
      %scan3A_163 = arith.constant 32 : i32
      %scan3A_164 = arith.addi %scan3A_162, %scan3A_163 : i32
      %scan3A_165 = arith.constant 1 : i32
      scf.for %scan3A_332 = %scan3A_162 to %scan3A_164 step %scan3A_165  : i32 {
        %mul3A_333 = arith.constant 128 : i32
        %mul3A_334 = arith.muli %scan3A_332, %mul3A_333 : i32
        %add3A_335 = arith.constant 0 : i32
        %add3A_336 = arith.addi %mul3A_334, %add3A_335 : i32
        %swap3A = arith.constant 0 : i32
        %swap3A_337 = arith.constant 7 : i32
        %swap3A_338 = arith.index_cast %swap3A : i32 to index
        %swap3A_339 = arith.index_cast %swap3A_337 : i32 to index
        %swap3A_340 = arith.index_cast %add3A_336 : i32 to index
        %swap3A_341 = tpu.vector_load %arg5[%swap3A_338, %swap3A_339, %swap3A_340] {strides = array<i32>} : memref<2x8x4096xf32, #tpu.memory_space<vmem>>, vector<1x1x16xf32>,
        %swap3A_342 = vector.shape_cast %swap3A_341 : vector<1x1x16xf32> to vector<16xf32>
        %swap3A_343 = vector.shape_cast %broadcast_in_dim3A_160 : vector<16xf32> to vector<1x1x16xf32>
        tpu.vector_store %arg5[%swap3A_338, %swap3A_339, %swap3A_340], %swap3A_343 {strides = array<i32>} : memref<2x8x4096xf32, #tpu.memory_space<vmem>>, vector<1x1x16xf32>,
        %add3A_344 = arith.constant 16 : i32
        %add3A_345 = arith.addi %mul3A_334, %add3A_344 : i32
        %swap3A_346 = arith.constant 0 : i32
        %swap3A_347 = arith.constant 7 : i32
        %swap3A_348 = arith.index_cast %swap3A_346 : i32 to index
        %swap3A_349 = arith.index_cast %swap3A_347 : i32 to index
        %swap3A_350 = arith.index_cast %add3A_345 : i32 to index
        %swap3A_351 = tpu.vector_load %arg5[%swap3A_348, %swap3A_349, %swap3A_350] {strides = array<i32>} : memref<2x8x4096xf32, #tpu.memory_space<vmem>>, vector<1x1x16xf32>,
        %swap3A_352 = vector.shape_cast %swap3A_351 : vector<1x1x16xf32> to vector<16xf32>
        %swap3A_353 = vector.shape_cast %broadcast_in_dim3A_160 : vector<16xf32> to vector<1x1x16xf32>
        tpu.vector_store %arg5[%swap3A_348, %swap3A_349, %swap3A_350], %swap3A_353 {strides = array<i32>} : memref<2x8x4096xf32, #tpu.memory_space<vmem>>, vector<1x1x16xf32>,
        %add3A_354 = arith.constant 32 : i32
        %add3A_355 = arith.addi %mul3A_334, %add3A_354 : i32
        %swap3A_356 = arith.constant 0 : i32
        %swap3A_357 = arith.constant 7 : i32
        %swap3A_358 = arith.index_cast %swap3A_356 : i32 to index
        %swap3A_359 = arith.index_cast %swap3A_357 : i32 to index
        %swap3A_360 = arith.index_cast %add3A_355 : i32 to index
        %swap3A_361 = tpu.vector_load %arg5[%swap3A_358, %swap3A_359, %swap3A_360] {strides = array<i32>} : memref<2x8x4096xf32, #tpu.memory_space<vmem>>, vector<1x1x16xf32>,
        %swap3A_362 = vector.shape_cast %swap3A_361 : vector<1x1x16xf32> to vector<16xf32>
        %swap3A_363 = vector.shape_cast %broadcast_in_dim3A_160 : vector<16xf32> to vector<1x1x16xf32>
        tpu.vector_store %arg5[%swap3A_358, %swap3A_359, %swap3A_360], %swap3A_363 {strides = array<i32>} : memref<2x8x4096xf32, #tpu.memory_space<vmem>>, vector<1x1x16xf32>,
        %add3A_364 = arith.constant 48 : i32
        %add3A_365 = arith.addi %mul3A_334, %add3A_364 : i32
        %swap3A_366 = arith.constant 0 : i32
        %swap3A_367 = arith.constant 7 : i32
        %swap3A_368 = arith.index_cast %swap3A_366 : i32 to index
        %swap3A_369 = arith.index_cast %swap3A_367 : i32 to index
        %swap3A_370 = arith.index_cast %add3A_365 : i32 to index
        %swap3A_371 = tpu.vector_load %arg5[%swap3A_368, %swap3A_369, %swap3A_370] {strides = array<i32>} : memref<2x8x4096xf32, #tpu.memory_space<vmem>>, vector<1x1x16xf32>,
        %swap3A_372 = vector.shape_cast %swap3A_371 : vector<1x1x16xf32> to vector<16xf32>
        %swap3A_373 = vector.shape_cast %broadcast_in_dim3A_160 : vector<16xf32> to vector<1x1x16xf32>
        tpu.vector_store %arg5[%swap3A_368, %swap3A_369, %swap3A_370], %swap3A_373 {strides = array<i32>} : memref<2x8x4096xf32, #tpu.memory_space<vmem>>, vector<1x1x16xf32>,
        %add3A_374 = arith.constant 64 : i32
        %add3A_375 = arith.addi %mul3A_334, %add3A_374 : i32
        %swap3A_376 = arith.constant 0 : i32
        %swap3A_377 = arith.constant 7 : i32
        %swap3A_378 = arith.index_cast %swap3A_376 : i32 to index
        %swap3A_379 = arith.index_cast %swap3A_377 : i32 to index
        %swap3A_380 = arith.index_cast %add3A_375 : i32 to index
        %swap3A_381 = tpu.vector_load %arg5[%swap3A_378, %swap3A_379, %swap3A_380] {strides = array<i32>} : memref<2x8x4096xf32, #tpu.memory_space<vmem>>, vector<1x1x16xf32>,
        %swap3A_382 = vector.shape_cast %swap3A_381 : vector<1x1x16xf32> to vector<16xf32>
        %swap3A_383 = vector.shape_cast %broadcast_in_dim3A_160 : vector<16xf32> to vector<1x1x16xf32>
        tpu.vector_store %arg5[%swap3A_378, %swap3A_379, %swap3A_380], %swap3A_383 {strides = array<i32>} : memref<2x8x4096xf32, #tpu.memory_space<vmem>>, vector<1x1x16xf32>,
        %add3A_384 = arith.constant 80 : i32
        %add3A_385 = arith.addi %mul3A_334, %add3A_384 : i32
        %swap3A_386 = arith.constant 0 : i32
        %swap3A_387 = arith.constant 7 : i32
        %swap3A_388 = arith.index_cast %swap3A_386 : i32 to index
        %swap3A_389 = arith.index_cast %swap3A_387 : i32 to index
        %swap3A_390 = arith.index_cast %add3A_385 : i32 to index
        %swap3A_391 = tpu.vector_load %arg5[%swap3A_388, %swap3A_389, %swap3A_390] {strides = array<i32>} : memref<2x8x4096xf32, #tpu.memory_space<vmem>>, vector<1x1x16xf32>,
        %swap3A_392 = vector.shape_cast %swap3A_391 : vector<1x1x16xf32> to vector<16xf32>
        %swap3A_393 = vector.shape_cast %broadcast_in_dim3A_160 : vector<16xf32> to vector<1x1x16xf32>
        tpu.vector_store %arg5[%swap3A_388, %swap3A_389, %swap3A_390], %swap3A_393 {strides = array<i32>} : memref<2x8x4096xf32, #tpu.memory_space<vmem>>, vector<1x1x16xf32>,
        %add3A_394 = arith.constant 96 : i32
        %add3A_395 = arith.addi %mul3A_334, %add3A_394 : i32
        %swap3A_396 = arith.constant 0 : i32
        %swap3A_397 = arith.constant 7 : i32
        %swap3A_398 = arith.index_cast %swap3A_396 : i32 to index
        %swap3A_399 = arith.index_cast %swap3A_397 : i32 to index
        %swap3A_400 = arith.index_cast %add3A_395 : i32 to index
        %swap3A_401 = tpu.vector_load %arg5[%swap3A_398, %swap3A_399, %swap3A_400] {strides = array<i32>} : memref<2x8x4096xf32, #tpu.memory_space<vmem>>, vector<1x1x16xf32>,
        %swap3A_402 = vector.shape_cast %swap3A_401 : vector<1x1x16xf32> to vector<16xf32>
        %swap3A_403 = vector.shape_cast %broadcast_in_dim3A_160 : vector<16xf32> to vector<1x1x16xf32>
        tpu.vector_store %arg5[%swap3A_398, %swap3A_399, %swap3A_400], %swap3A_403 {strides = array<i32>} : memref<2x8x4096xf32, #tpu.memory_space<vmem>>, vector<1x1x16xf32>,
        %add3A_404 = arith.constant 112 : i32
        %add3A_405 = arith.addi %mul3A_334, %add3A_404 : i32
        %swap3A_406 = arith.constant 0 : i32
        %swap3A_407 = arith.constant 7 : i32
        %swap3A_408 = arith.index_cast %swap3A_406 : i32 to index
        %swap3A_409 = arith.index_cast %swap3A_407 : i32 to index
        %swap3A_410 = arith.index_cast %add3A_405 : i32 to index
        %swap3A_411 = tpu.vector_load %arg5[%swap3A_408, %swap3A_409, %swap3A_410] {strides = array<i32>} : memref<2x8x4096xf32, #tpu.memory_space<vmem>>, vector<1x1x16xf32>,
        %swap3A_412 = vector.shape_cast %swap3A_411 : vector<1x1x16xf32> to vector<16xf32>
        %swap3A_413 = vector.shape_cast %broadcast_in_dim3A_160 : vector<16xf32> to vector<1x1x16xf32>
        tpu.vector_store %arg5[%swap3A_408, %swap3A_409, %swap3A_410], %swap3A_413 {strides = array<i32>} : memref<2x8x4096xf32, #tpu.memory_space<vmem>>, vector<1x1x16xf32>,
      }
      %scan3A_166 = arith.constant 32 : i32
      %dma_start3A = arith.constant 0 : i32
      %dma_start3A_167 = arith.constant 0 : i32
      %dma_start3A_168 = arith.constant 0 : i32
      %dma_start3A_169 = tpu.memref_slice %arg5[%dma_start3A, %dma_start3A_167, %dma_start3A_168] : memref<2x8x4096xf32, #tpu.memory_space<vmem>> -> memref<1x8x4096xf32, #tpu.memory_space<vmem>>
      %dma_start3A_170 = tpu.memref_squeeze %dma_start3A_169 : memref<1x8x4096xf32, #tpu.memory_space<vmem>> -> memref<8x4096xf32, #tpu.memory_space<vmem>>
      %dma_start3A_171 = arith.constant 0 : i32
      %dma_start3A_172 = tpu.memref_slice %arg3[%add3A_40, %dma_start3A_171] : memref<12800x4096xf32, #tpu.memory_space<hbm>> -> memref<8x4096xf32, #tpu.memory_space<hbm>>
      %dma_start3A_173 = arith.constant 0 : i32
      %dma_start3A_174 = tpu.memref_slice %arg3[%add3A_40, %dma_start3A_173] : memref<12800x4096xf32, #tpu.memory_space<hbm>> -> memref<8x4096xf32, #tpu.memory_space<hbm>>
      %dma_start3A_175 = arith.constant 0 : i32
      %dma_start3A_176 = arith.constant 0 : i32
      %dma_start3A_177 = tpu.memref_slice %arg5[%dma_start3A, %dma_start3A_175, %dma_start3A_176] : memref<2x8x4096xf32, #tpu.memory_space<vmem>> -> memref<1x8x4096xf32, #tpu.memory_space<vmem>>
      %dma_start3A_178 = tpu.memref_squeeze %dma_start3A_177 : memref<1x8x4096xf32, #tpu.memory_space<vmem>> -> memref<8x4096xf32, #tpu.memory_space<vmem>>
      tpu.enqueue_dma source(%dma_start3A_178 : memref<8x4096xf32, #tpu.memory_space<vmem>>) target(%dma_start3A_174 : memref<8x4096xf32, #tpu.memory_space<hbm>>) target_semaphore(%arg6 : memref<!tpu.dma_semaphore, #tpu.memory_space<semaphore_mem>>)
      %mul3A_179 = arith.constant 2 : i32
      %mul3A_180 = arith.muli %scan3A_33, %mul3A_179 : i32
      %add3A_181 = arith.constant 1 : i32
      %add3A_182 = arith.addi %mul3A_180, %add3A_181 : i32
      %mul3A_183 = arith.constant 8 : i32
      %mul3A_184 = arith.muli %add3A_182, %mul3A_183 : i32
      %add3A_185 = arith.addi %mul3A_2, %mul3A_184 : i32
      %gt3A_186 = arith.constant 0 : i32
      %gt3A_187 = arith.cmpi sgt, %scan3A_33, %gt3A_186 : i32
      %convert_element_type3A_188 = arith.extui %gt3A_187 : i1 to i32
      %cond3A_189 = arith.constant 0 : i32
      %cond3A_190 = arith.cmpi ne, %convert_element_type3A_188, %cond3A_189 : i32
      scf.if %cond3A_190 {
        %dma_wait3A_332 = arith.constant 1 : i32
        %dma_wait3A_333 = arith.constant 0 : i32
        %dma_wait3A_334 = arith.constant 0 : i32
        %dma_wait3A_335 = tpu.memref_slice %arg5[%dma_wait3A_332, %dma_wait3A_333, %dma_wait3A_334] : memref<2x8x4096xf32, #tpu.memory_space<vmem>> -> memref<1x8x4096xf32, #tpu.memory_space<vmem>>
        %dma_wait3A_336 = tpu.memref_squeeze %dma_wait3A_335 : memref<1x8x4096xf32, #tpu.memory_space<vmem>> -> memref<8x4096xf32, #tpu.memory_space<vmem>>
        %dma_wait3A_337 = arith.constant 0 : i32
        %dma_wait3A_338 = tpu.memref_slice %arg3[%add3A_185, %dma_wait3A_337] : memref<12800x4096xf32, #tpu.memory_space<hbm>> -> memref<8x4096xf32, #tpu.memory_space<hbm>>
        %dma_wait3A_339 = arith.constant 0 : i32
        %dma_wait3A_340 = tpu.memref_slice %arg3[%add3A_185, %dma_wait3A_339] : memref<12800x4096xf32, #tpu.memory_space<hbm>> -> memref<8x4096xf32, #tpu.memory_space<hbm>>
        %dma_wait3A_341 = arith.constant 0 : i32
        %dma_wait3A_342 = arith.constant 0 : i32
        %dma_wait3A_343 = tpu.memref_slice %arg5[%dma_wait3A_332, %dma_wait3A_341, %dma_wait3A_342] : memref<2x8x4096xf32, #tpu.memory_space<vmem>> -> memref<1x8x4096xf32, #tpu.memory_space<vmem>>
        %dma_wait3A_344 = tpu.memref_squeeze %dma_wait3A_343 : memref<1x8x4096xf32, #tpu.memory_space<vmem>> -> memref<8x4096xf32, #tpu.memory_space<vmem>>
        tpu.wait_dma2 semaphore(%arg7 : memref<!tpu.dma_semaphore, #tpu.memory_space<semaphore_mem>>) src(%dma_wait3A_344 : memref<8x4096xf32, #tpu.memory_space<vmem>>) dst(%dma_wait3A_340 : memref<8x4096xf32, #tpu.memory_space<hbm>>)
      } else {
      }
      %mul3A_191 = arith.constant 8 : i32
      %mul3A_192 = arith.muli %add3A_182, %mul3A_191 : i32
      %add3A_193 = arith.constant 0 : i32
      %add3A_194 = arith.addi %mul3A_192, %add3A_193 : i32
      %get3A_195 = arith.index_cast %add3A_194 : i32 to index
      %get3A_196 = tpu.vector_load %arg4[%get3A_195] {strides = array<i32>} : memref<416xf32, #tpu.memory_space<vmem>>, vector<16xf32>,
      %get3A_197 = vector.shape_cast %get3A_196 : vector<16xf32> to vector<16xf32>
      %slice3A_198 = vector.extract_strided_slice %get3A_197 {offsets = [0], sizes = [1], strides = [1]} : vector<16xf32> to vector<1xf32>
      %squeeze3A_199 = vector.extract %slice3A_198[0] : f32 from vector<1xf32>
      %broadcast_in_dim3A_200 = vector.broadcast %squeeze3A_199 : f32 to vector<16xf32>
      %scan3A_201 = arith.constant 0 : i32
      %scan3A_202 = arith.constant 0 : i32
      %scan3A_203 = arith.constant 32 : i32
      %scan3A_204 = arith.addi %scan3A_202, %scan3A_203 : i32
      %scan3A_205 = arith.constant 1 : i32
      scf.for %scan3A_332 = %scan3A_202 to %scan3A_204 step %scan3A_205  : i32 {
        %mul3A_333 = arith.constant 128 : i32
        %mul3A_334 = arith.muli %scan3A_332, %mul3A_333 : i32
        %add3A_335 = arith.constant 0 : i32
        %add3A_336 = arith.addi %mul3A_334, %add3A_335 : i32
        %swap3A = arith.constant 1 : i32
        %swap3A_337 = arith.constant 0 : i32
        %swap3A_338 = arith.index_cast %swap3A : i32 to index
        %swap3A_339 = arith.index_cast %swap3A_337 : i32 to index
        %swap3A_340 = arith.index_cast %add3A_336 : i32 to index
        %swap3A_341 = tpu.vector_load %arg5[%swap3A_338, %swap3A_339, %swap3A_340] {strides = array<i32>} : memref<2x8x4096xf32, #tpu.memory_space<vmem>>, vector<1x1x16xf32>,
        %swap3A_342 = vector.shape_cast %swap3A_341 : vector<1x1x16xf32> to vector<16xf32>
        %swap3A_343 = vector.shape_cast %broadcast_in_dim3A_200 : vector<16xf32> to vector<1x1x16xf32>
        tpu.vector_store %arg5[%swap3A_338, %swap3A_339, %swap3A_340], %swap3A_343 {strides = array<i32>} : memref<2x8x4096xf32, #tpu.memory_space<vmem>>, vector<1x1x16xf32>,
        %add3A_344 = arith.constant 16 : i32
        %add3A_345 = arith.addi %mul3A_334, %add3A_344 : i32
        %swap3A_346 = arith.constant 1 : i32
        %swap3A_347 = arith.constant 0 : i32
        %swap3A_348 = arith.index_cast %swap3A_346 : i32 to index
        %swap3A_349 = arith.index_cast %swap3A_347 : i32 to index
        %swap3A_350 = arith.index_cast %add3A_345 : i32 to index
        %swap3A_351 = tpu.vector_load %arg5[%swap3A_348, %swap3A_349, %swap3A_350] {strides = array<i32>} : memref<2x8x4096xf32, #tpu.memory_space<vmem>>, vector<1x1x16xf32>,
        %swap3A_352 = vector.shape_cast %swap3A_351 : vector<1x1x16xf32> to vector<16xf32>
        %swap3A_353 = vector.shape_cast %broadcast_in_dim3A_200 : vector<16xf32> to vector<1x1x16xf32>
        tpu.vector_store %arg5[%swap3A_348, %swap3A_349, %swap3A_350], %swap3A_353 {strides = array<i32>} : memref<2x8x4096xf32, #tpu.memory_space<vmem>>, vector<1x1x16xf32>,
        %add3A_354 = arith.constant 32 : i32
        %add3A_355 = arith.addi %mul3A_334, %add3A_354 : i32
        %swap3A_356 = arith.constant 1 : i32
        %swap3A_357 = arith.constant 0 : i32
        %swap3A_358 = arith.index_cast %swap3A_356 : i32 to index
        %swap3A_359 = arith.index_cast %swap3A_357 : i32 to index
        %swap3A_360 = arith.index_cast %add3A_355 : i32 to index
        %swap3A_361 = tpu.vector_load %arg5[%swap3A_358, %swap3A_359, %swap3A_360] {strides = array<i32>} : memref<2x8x4096xf32, #tpu.memory_space<vmem>>, vector<1x1x16xf32>,
        %swap3A_362 = vector.shape_cast %swap3A_361 : vector<1x1x16xf32> to vector<16xf32>
        %swap3A_363 = vector.shape_cast %broadcast_in_dim3A_200 : vector<16xf32> to vector<1x1x16xf32>
        tpu.vector_store %arg5[%swap3A_358, %swap3A_359, %swap3A_360], %swap3A_363 {strides = array<i32>} : memref<2x8x4096xf32, #tpu.memory_space<vmem>>, vector<1x1x16xf32>,
        %add3A_364 = arith.constant 48 : i32
        %add3A_365 = arith.addi %mul3A_334, %add3A_364 : i32
        %swap3A_366 = arith.constant 1 : i32
        %swap3A_367 = arith.constant 0 : i32
        %swap3A_368 = arith.index_cast %swap3A_366 : i32 to index
        %swap3A_369 = arith.index_cast %swap3A_367 : i32 to index
        %swap3A_370 = arith.index_cast %add3A_365 : i32 to index
        %swap3A_371 = tpu.vector_load %arg5[%swap3A_368, %swap3A_369, %swap3A_370] {strides = array<i32>} : memref<2x8x4096xf32, #tpu.memory_space<vmem>>, vector<1x1x16xf32>,
        %swap3A_372 = vector.shape_cast %swap3A_371 : vector<1x1x16xf32> to vector<16xf32>
        %swap3A_373 = vector.shape_cast %broadcast_in_dim3A_200 : vector<16xf32> to vector<1x1x16xf32>
        tpu.vector_store %arg5[%swap3A_368, %swap3A_369, %swap3A_370], %swap3A_373 {strides = array<i32>} : memref<2x8x4096xf32, #tpu.memory_space<vmem>>, vector<1x1x16xf32>,
        %add3A_374 = arith.constant 64 : i32
        %add3A_375 = arith.addi %mul3A_334, %add3A_374 : i32
        %swap3A_376 = arith.constant 1 : i32
        %swap3A_377 = arith.constant 0 : i32
        %swap3A_378 = arith.index_cast %swap3A_376 : i32 to index
        %swap3A_379 = arith.index_cast %swap3A_377 : i32 to index
        %swap3A_380 = arith.index_cast %add3A_375 : i32 to index
        %swap3A_381 = tpu.vector_load %arg5[%swap3A_378, %swap3A_379, %swap3A_380] {strides = array<i32>} : memref<2x8x4096xf32, #tpu.memory_space<vmem>>, vector<1x1x16xf32>,
        %swap3A_382 = vector.shape_cast %swap3A_381 : vector<1x1x16xf32> to vector<16xf32>
        %swap3A_383 = vector.shape_cast %broadcast_in_dim3A_200 : vector<16xf32> to vector<1x1x16xf32>
        tpu.vector_store %arg5[%swap3A_378, %swap3A_379, %swap3A_380], %swap3A_383 {strides = array<i32>} : memref<2x8x4096xf32, #tpu.memory_space<vmem>>, vector<1x1x16xf32>,
        %add3A_384 = arith.constant 80 : i32
        %add3A_385 = arith.addi %mul3A_334, %add3A_384 : i32
        %swap3A_386 = arith.constant 1 : i32
        %swap3A_387 = arith.constant 0 : i32
        %swap3A_388 = arith.index_cast %swap3A_386 : i32 to index
        %swap3A_389 = arith.index_cast %swap3A_387 : i32 to index
        %swap3A_390 = arith.index_cast %add3A_385 : i32 to index
        %swap3A_391 = tpu.vector_load %arg5[%swap3A_388, %swap3A_389, %swap3A_390] {strides = array<i32>} : memref<2x8x4096xf32, #tpu.memory_space<vmem>>, vector<1x1x16xf32>,
        %swap3A_392 = vector.shape_cast %swap3A_391 : vector<1x1x16xf32> to vector<16xf32>
        %swap3A_393 = vector.shape_cast %broadcast_in_dim3A_200 : vector<16xf32> to vector<1x1x16xf32>
        tpu.vector_store %arg5[%swap3A_388, %swap3A_389, %swap3A_390], %swap3A_393 {strides = array<i32>} : memref<2x8x4096xf32, #tpu.memory_space<vmem>>, vector<1x1x16xf32>,
        %add3A_394 = arith.constant 96 : i32
        %add3A_395 = arith.addi %mul3A_334, %add3A_394 : i32
        %swap3A_396 = arith.constant 1 : i32
        %swap3A_397 = arith.constant 0 : i32
        %swap3A_398 = arith.index_cast %swap3A_396 : i32 to index
        %swap3A_399 = arith.index_cast %swap3A_397 : i32 to index
        %swap3A_400 = arith.index_cast %add3A_395 : i32 to index
        %swap3A_401 = tpu.vector_load %arg5[%swap3A_398, %swap3A_399, %swap3A_400] {strides = array<i32>} : memref<2x8x4096xf32, #tpu.memory_space<vmem>>, vector<1x1x16xf32>,
        %swap3A_402 = vector.shape_cast %swap3A_401 : vector<1x1x16xf32> to vector<16xf32>
        %swap3A_403 = vector.shape_cast %broadcast_in_dim3A_200 : vector<16xf32> to vector<1x1x16xf32>
        tpu.vector_store %arg5[%swap3A_398, %swap3A_399, %swap3A_400], %swap3A_403 {strides = array<i32>} : memref<2x8x4096xf32, #tpu.memory_space<vmem>>, vector<1x1x16xf32>,
        %add3A_404 = arith.constant 112 : i32
        %add3A_405 = arith.addi %mul3A_334, %add3A_404 : i32
        %swap3A_406 = arith.constant 1 : i32
        %swap3A_407 = arith.constant 0 : i32
        %swap3A_408 = arith.index_cast %swap3A_406 : i32 to index
        %swap3A_409 = arith.index_cast %swap3A_407 : i32 to index
        %swap3A_410 = arith.index_cast %add3A_405 : i32 to index
        %swap3A_411 = tpu.vector_load %arg5[%swap3A_408, %swap3A_409, %swap3A_410] {strides = array<i32>} : memref<2x8x4096xf32, #tpu.memory_space<vmem>>, vector<1x1x16xf32>,
        %swap3A_412 = vector.shape_cast %swap3A_411 : vector<1x1x16xf32> to vector<16xf32>
        %swap3A_413 = vector.shape_cast %broadcast_in_dim3A_200 : vector<16xf32> to vector<1x1x16xf32>
        tpu.vector_store %arg5[%swap3A_408, %swap3A_409, %swap3A_410], %swap3A_413 {strides = array<i32>} : memref<2x8x4096xf32, #tpu.memory_space<vmem>>, vector<1x1x16xf32>,
      }
      %scan3A_206 = arith.constant 32 : i32
      %mul3A_207 = arith.constant 8 : i32
      %mul3A_208 = arith.muli %add3A_182, %mul3A_207 : i32
      %add3A_209 = arith.constant 1 : i32
      %add3A_210 = arith.addi %mul3A_208, %add3A_209 : i32
      %get3A_211 = arith.index_cast %add3A_210 : i32 to index
      %get3A_212 = tpu.vector_load %arg4[%get3A_211] {strides = array<i32>} : memref<416xf32, #tpu.memory_space<vmem>>, vector<16xf32>,
      %get3A_213 = vector.shape_cast %get3A_212 : vector<16xf32> to vector<16xf32>
      %slice3A_214 = vector.extract_strided_slice %get3A_213 {offsets = [0], sizes = [1], strides = [1]} : vector<16xf32> to vector<1xf32>
      %squeeze3A_215 = vector.extract %slice3A_214[0] : f32 from vector<1xf32>
      %broadcast_in_dim3A_216 = vector.broadcast %squeeze3A_215 : f32 to vector<16xf32>
      %scan3A_217 = arith.constant 0 : i32
      %scan3A_218 = arith.constant 0 : i32
      %scan3A_219 = arith.constant 32 : i32
      %scan3A_220 = arith.addi %scan3A_218, %scan3A_219 : i32
      %scan3A_221 = arith.constant 1 : i32
      scf.for %scan3A_332 = %scan3A_218 to %scan3A_220 step %scan3A_221  : i32 {
        %mul3A_333 = arith.constant 128 : i32
        %mul3A_334 = arith.muli %scan3A_332, %mul3A_333 : i32
        %add3A_335 = arith.constant 0 : i32
        %add3A_336 = arith.addi %mul3A_334, %add3A_335 : i32
        %swap3A = arith.constant 1 : i32
        %swap3A_337 = arith.constant 1 : i32
        %swap3A_338 = arith.index_cast %swap3A : i32 to index
        %swap3A_339 = arith.index_cast %swap3A_337 : i32 to index
        %swap3A_340 = arith.index_cast %add3A_336 : i32 to index
        %swap3A_341 = tpu.vector_load %arg5[%swap3A_338, %swap3A_339, %swap3A_340] {strides = array<i32>} : memref<2x8x4096xf32, #tpu.memory_space<vmem>>, vector<1x1x16xf32>,
        %swap3A_342 = vector.shape_cast %swap3A_341 : vector<1x1x16xf32> to vector<16xf32>
        %swap3A_343 = vector.shape_cast %broadcast_in_dim3A_216 : vector<16xf32> to vector<1x1x16xf32>
        tpu.vector_store %arg5[%swap3A_338, %swap3A_339, %swap3A_340], %swap3A_343 {strides = array<i32>} : memref<2x8x4096xf32, #tpu.memory_space<vmem>>, vector<1x1x16xf32>,
        %add3A_344 = arith.constant 16 : i32
        %add3A_345 = arith.addi %mul3A_334, %add3A_344 : i32
        %swap3A_346 = arith.constant 1 : i32
        %swap3A_347 = arith.constant 1 : i32
        %swap3A_348 = arith.index_cast %swap3A_346 : i32 to index
        %swap3A_349 = arith.index_cast %swap3A_347 : i32 to index
        %swap3A_350 = arith.index_cast %add3A_345 : i32 to index
        %swap3A_351 = tpu.vector_load %arg5[%swap3A_348, %swap3A_349, %swap3A_350] {strides = array<i32>} : memref<2x8x4096xf32, #tpu.memory_space<vmem>>, vector<1x1x16xf32>,
        %swap3A_352 = vector.shape_cast %swap3A_351 : vector<1x1x16xf32> to vector<16xf32>
        %swap3A_353 = vector.shape_cast %broadcast_in_dim3A_216 : vector<16xf32> to vector<1x1x16xf32>
        tpu.vector_store %arg5[%swap3A_348, %swap3A_349, %swap3A_350], %swap3A_353 {strides = array<i32>} : memref<2x8x4096xf32, #tpu.memory_space<vmem>>, vector<1x1x16xf32>,
        %add3A_354 = arith.constant 32 : i32
        %add3A_355 = arith.addi %mul3A_334, %add3A_354 : i32
        %swap3A_356 = arith.constant 1 : i32
        %swap3A_357 = arith.constant 1 : i32
        %swap3A_358 = arith.index_cast %swap3A_356 : i32 to index
        %swap3A_359 = arith.index_cast %swap3A_357 : i32 to index
        %swap3A_360 = arith.index_cast %add3A_355 : i32 to index
        %swap3A_361 = tpu.vector_load %arg5[%swap3A_358, %swap3A_359, %swap3A_360] {strides = array<i32>} : memref<2x8x4096xf32, #tpu.memory_space<vmem>>, vector<1x1x16xf32>,
        %swap3A_362 = vector.shape_cast %swap3A_361 : vector<1x1x16xf32> to vector<16xf32>
        %swap3A_363 = vector.shape_cast %broadcast_in_dim3A_216 : vector<16xf32> to vector<1x1x16xf32>
        tpu.vector_store %arg5[%swap3A_358, %swap3A_359, %swap3A_360], %swap3A_363 {strides = array<i32>} : memref<2x8x4096xf32, #tpu.memory_space<vmem>>, vector<1x1x16xf32>,
        %add3A_364 = arith.constant 48 : i32
        %add3A_365 = arith.addi %mul3A_334, %add3A_364 : i32
        %swap3A_366 = arith.constant 1 : i32
        %swap3A_367 = arith.constant 1 : i32
        %swap3A_368 = arith.index_cast %swap3A_366 : i32 to index
        %swap3A_369 = arith.index_cast %swap3A_367 : i32 to index
        %swap3A_370 = arith.index_cast %add3A_365 : i32 to index
        %swap3A_371 = tpu.vector_load %arg5[%swap3A_368, %swap3A_369, %swap3A_370] {strides = array<i32>} : memref<2x8x4096xf32, #tpu.memory_space<vmem>>, vector<1x1x16xf32>,
        %swap3A_372 = vector.shape_cast %swap3A_371 : vector<1x1x16xf32> to vector<16xf32>
        %swap3A_373 = vector.shape_cast %broadcast_in_dim3A_216 : vector<16xf32> to vector<1x1x16xf32>
        tpu.vector_store %arg5[%swap3A_368, %swap3A_369, %swap3A_370], %swap3A_373 {strides = array<i32>} : memref<2x8x4096xf32, #tpu.memory_space<vmem>>, vector<1x1x16xf32>,
        %add3A_374 = arith.constant 64 : i32
        %add3A_375 = arith.addi %mul3A_334, %add3A_374 : i32
        %swap3A_376 = arith.constant 1 : i32
        %swap3A_377 = arith.constant 1 : i32
        %swap3A_378 = arith.index_cast %swap3A_376 : i32 to index
        %swap3A_379 = arith.index_cast %swap3A_377 : i32 to index
        %swap3A_380 = arith.index_cast %add3A_375 : i32 to index
        %swap3A_381 = tpu.vector_load %arg5[%swap3A_378, %swap3A_379, %swap3A_380] {strides = array<i32>} : memref<2x8x4096xf32, #tpu.memory_space<vmem>>, vector<1x1x16xf32>,
        %swap3A_382 = vector.shape_cast %swap3A_381 : vector<1x1x16xf32> to vector<16xf32>
        %swap3A_383 = vector.shape_cast %broadcast_in_dim3A_216 : vector<16xf32> to vector<1x1x16xf32>
        tpu.vector_store %arg5[%swap3A_378, %swap3A_379, %swap3A_380], %swap3A_383 {strides = array<i32>} : memref<2x8x4096xf32, #tpu.memory_space<vmem>>, vector<1x1x16xf32>,
        %add3A_384 = arith.constant 80 : i32
        %add3A_385 = arith.addi %mul3A_334, %add3A_384 : i32
        %swap3A_386 = arith.constant 1 : i32
        %swap3A_387 = arith.constant 1 : i32
        %swap3A_388 = arith.index_cast %swap3A_386 : i32 to index
        %swap3A_389 = arith.index_cast %swap3A_387 : i32 to index
        %swap3A_390 = arith.index_cast %add3A_385 : i32 to index
        %swap3A_391 = tpu.vector_load %arg5[%swap3A_388, %swap3A_389, %swap3A_390] {strides = array<i32>} : memref<2x8x4096xf32, #tpu.memory_space<vmem>>, vector<1x1x16xf32>,
        %swap3A_392 = vector.shape_cast %swap3A_391 : vector<1x1x16xf32> to vector<16xf32>
        %swap3A_393 = vector.shape_cast %broadcast_in_dim3A_216 : vector<16xf32> to vector<1x1x16xf32>
        tpu.vector_store %arg5[%swap3A_388, %swap3A_389, %swap3A_390], %swap3A_393 {strides = array<i32>} : memref<2x8x4096xf32, #tpu.memory_space<vmem>>, vector<1x1x16xf32>,
        %add3A_394 = arith.constant 96 : i32
        %add3A_395 = arith.addi %mul3A_334, %add3A_394 : i32
        %swap3A_396 = arith.constant 1 : i32
        %swap3A_397 = arith.constant 1 : i32
        %swap3A_398 = arith.index_cast %swap3A_396 : i32 to index
        %swap3A_399 = arith.index_cast %swap3A_397 : i32 to index
        %swap3A_400 = arith.index_cast %add3A_395 : i32 to index
        %swap3A_401 = tpu.vector_load %arg5[%swap3A_398, %swap3A_399, %swap3A_400] {strides = array<i32>} : memref<2x8x4096xf32, #tpu.memory_space<vmem>>, vector<1x1x16xf32>,
        %swap3A_402 = vector.shape_cast %swap3A_401 : vector<1x1x16xf32> to vector<16xf32>
        %swap3A_403 = vector.shape_cast %broadcast_in_dim3A_216 : vector<16xf32> to vector<1x1x16xf32>
        tpu.vector_store %arg5[%swap3A_398, %swap3A_399, %swap3A_400], %swap3A_403 {strides = array<i32>} : memref<2x8x4096xf32, #tpu.memory_space<vmem>>, vector<1x1x16xf32>,
        %add3A_404 = arith.constant 112 : i32
        %add3A_405 = arith.addi %mul3A_334, %add3A_404 : i32
        %swap3A_406 = arith.constant 1 : i32
        %swap3A_407 = arith.constant 1 : i32
        %swap3A_408 = arith.index_cast %swap3A_406 : i32 to index
        %swap3A_409 = arith.index_cast %swap3A_407 : i32 to index
        %swap3A_410 = arith.index_cast %add3A_405 : i32 to index
        %swap3A_411 = tpu.vector_load %arg5[%swap3A_408, %swap3A_409, %swap3A_410] {strides = array<i32>} : memref<2x8x4096xf32, #tpu.memory_space<vmem>>, vector<1x1x16xf32>,
        %swap3A_412 = vector.shape_cast %swap3A_411 : vector<1x1x16xf32> to vector<16xf32>
        %swap3A_413 = vector.shape_cast %broadcast_in_dim3A_216 : vector<16xf32> to vector<1x1x16xf32>
        tpu.vector_store %arg5[%swap3A_408, %swap3A_409, %swap3A_410], %swap3A_413 {strides = array<i32>} : memref<2x8x4096xf32, #tpu.memory_space<vmem>>, vector<1x1x16xf32>,
      }
      %scan3A_222 = arith.constant 32 : i32
      %mul3A_223 = arith.constant 8 : i32
      %mul3A_224 = arith.muli %add3A_182, %mul3A_223 : i32
      %add3A_225 = arith.constant 2 : i32
      %add3A_226 = arith.addi %mul3A_224, %add3A_225 : i32
      %get3A_227 = arith.index_cast %add3A_226 : i32 to index
      %get3A_228 = tpu.vector_load %arg4[%get3A_227] {strides = array<i32>} : memref<416xf32, #tpu.memory_space<vmem>>, vector<16xf32>,
      %get3A_229 = vector.shape_cast %get3A_228 : vector<16xf32> to vector<16xf32>
      %slice3A_230 = vector.extract_strided_slice %get3A_229 {offsets = [0], sizes = [1], strides = [1]} : vector<16xf32> to vector<1xf32>
      %squeeze3A_231 = vector.extract %slice3A_230[0] : f32 from vector<1xf32>
      %broadcast_in_dim3A_232 = vector.broadcast %squeeze3A_231 : f32 to vector<16xf32>
      %scan3A_233 = arith.constant 0 : i32
      %scan3A_234 = arith.constant 0 : i32
      %scan3A_235 = arith.constant 32 : i32
      %scan3A_236 = arith.addi %scan3A_234, %scan3A_235 : i32
      %scan3A_237 = arith.constant 1 : i32
      scf.for %scan3A_332 = %scan3A_234 to %scan3A_236 step %scan3A_237  : i32 {
        %mul3A_333 = arith.constant 128 : i32
        %mul3A_334 = arith.muli %scan3A_332, %mul3A_333 : i32
        %add3A_335 = arith.constant 0 : i32
        %add3A_336 = arith.addi %mul3A_334, %add3A_335 : i32
        %swap3A = arith.constant 1 : i32
        %swap3A_337 = arith.constant 2 : i32
        %swap3A_338 = arith.index_cast %swap3A : i32 to index
        %swap3A_339 = arith.index_cast %swap3A_337 : i32 to index
        %swap3A_340 = arith.index_cast %add3A_336 : i32 to index
        %swap3A_341 = tpu.vector_load %arg5[%swap3A_338, %swap3A_339, %swap3A_340] {strides = array<i32>} : memref<2x8x4096xf32, #tpu.memory_space<vmem>>, vector<1x1x16xf32>,
        %swap3A_342 = vector.shape_cast %swap3A_341 : vector<1x1x16xf32> to vector<16xf32>
        %swap3A_343 = vector.shape_cast %broadcast_in_dim3A_232 : vector<16xf32> to vector<1x1x16xf32>
        tpu.vector_store %arg5[%swap3A_338, %swap3A_339, %swap3A_340], %swap3A_343 {strides = array<i32>} : memref<2x8x4096xf32, #tpu.memory_space<vmem>>, vector<1x1x16xf32>,
        %add3A_344 = arith.constant 16 : i32
        %add3A_345 = arith.addi %mul3A_334, %add3A_344 : i32
        %swap3A_346 = arith.constant 1 : i32
        %swap3A_347 = arith.constant 2 : i32
        %swap3A_348 = arith.index_cast %swap3A_346 : i32 to index
        %swap3A_349 = arith.index_cast %swap3A_347 : i32 to index
        %swap3A_350 = arith.index_cast %add3A_345 : i32 to index
        %swap3A_351 = tpu.vector_load %arg5[%swap3A_348, %swap3A_349, %swap3A_350] {strides = array<i32>} : memref<2x8x4096xf32, #tpu.memory_space<vmem>>, vector<1x1x16xf32>,
        %swap3A_352 = vector.shape_cast %swap3A_351 : vector<1x1x16xf32> to vector<16xf32>
        %swap3A_353 = vector.shape_cast %broadcast_in_dim3A_232 : vector<16xf32> to vector<1x1x16xf32>
        tpu.vector_store %arg5[%swap3A_348, %swap3A_349, %swap3A_350], %swap3A_353 {strides = array<i32>} : memref<2x8x4096xf32, #tpu.memory_space<vmem>>, vector<1x1x16xf32>,
        %add3A_354 = arith.constant 32 : i32
        %add3A_355 = arith.addi %mul3A_334, %add3A_354 : i32
        %swap3A_356 = arith.constant 1 : i32
        %swap3A_357 = arith.constant 2 : i32
        %swap3A_358 = arith.index_cast %swap3A_356 : i32 to index
        %swap3A_359 = arith.index_cast %swap3A_357 : i32 to index
        %swap3A_360 = arith.index_cast %add3A_355 : i32 to index
        %swap3A_361 = tpu.vector_load %arg5[%swap3A_358, %swap3A_359, %swap3A_360] {strides = array<i32>} : memref<2x8x4096xf32, #tpu.memory_space<vmem>>, vector<1x1x16xf32>,
        %swap3A_362 = vector.shape_cast %swap3A_361 : vector<1x1x16xf32> to vector<16xf32>
        %swap3A_363 = vector.shape_cast %broadcast_in_dim3A_232 : vector<16xf32> to vector<1x1x16xf32>
        tpu.vector_store %arg5[%swap3A_358, %swap3A_359, %swap3A_360], %swap3A_363 {strides = array<i32>} : memref<2x8x4096xf32, #tpu.memory_space<vmem>>, vector<1x1x16xf32>,
        %add3A_364 = arith.constant 48 : i32
        %add3A_365 = arith.addi %mul3A_334, %add3A_364 : i32
        %swap3A_366 = arith.constant 1 : i32
        %swap3A_367 = arith.constant 2 : i32
        %swap3A_368 = arith.index_cast %swap3A_366 : i32 to index
        %swap3A_369 = arith.index_cast %swap3A_367 : i32 to index
        %swap3A_370 = arith.index_cast %add3A_365 : i32 to index
        %swap3A_371 = tpu.vector_load %arg5[%swap3A_368, %swap3A_369, %swap3A_370] {strides = array<i32>} : memref<2x8x4096xf32, #tpu.memory_space<vmem>>, vector<1x1x16xf32>,
        %swap3A_372 = vector.shape_cast %swap3A_371 : vector<1x1x16xf32> to vector<16xf32>
        %swap3A_373 = vector.shape_cast %broadcast_in_dim3A_232 : vector<16xf32> to vector<1x1x16xf32>
        tpu.vector_store %arg5[%swap3A_368, %swap3A_369, %swap3A_370], %swap3A_373 {strides = array<i32>} : memref<2x8x4096xf32, #tpu.memory_space<vmem>>, vector<1x1x16xf32>,
        %add3A_374 = arith.constant 64 : i32
        %add3A_375 = arith.addi %mul3A_334, %add3A_374 : i32
        %swap3A_376 = arith.constant 1 : i32
        %swap3A_377 = arith.constant 2 : i32
        %swap3A_378 = arith.index_cast %swap3A_376 : i32 to index
        %swap3A_379 = arith.index_cast %swap3A_377 : i32 to index
        %swap3A_380 = arith.index_cast %add3A_375 : i32 to index
        %swap3A_381 = tpu.vector_load %arg5[%swap3A_378, %swap3A_379, %swap3A_380] {strides = array<i32>} : memref<2x8x4096xf32, #tpu.memory_space<vmem>>, vector<1x1x16xf32>,
        %swap3A_382 = vector.shape_cast %swap3A_381 : vector<1x1x16xf32> to vector<16xf32>
        %swap3A_383 = vector.shape_cast %broadcast_in_dim3A_232 : vector<16xf32> to vector<1x1x16xf32>
        tpu.vector_store %arg5[%swap3A_378, %swap3A_379, %swap3A_380], %swap3A_383 {strides = array<i32>} : memref<2x8x4096xf32, #tpu.memory_space<vmem>>, vector<1x1x16xf32>,
        %add3A_384 = arith.constant 80 : i32
        %add3A_385 = arith.addi %mul3A_334, %add3A_384 : i32
        %swap3A_386 = arith.constant 1 : i32
        %swap3A_387 = arith.constant 2 : i32
        %swap3A_388 = arith.index_cast %swap3A_386 : i32 to index
        %swap3A_389 = arith.index_cast %swap3A_387 : i32 to index
        %swap3A_390 = arith.index_cast %add3A_385 : i32 to index
        %swap3A_391 = tpu.vector_load %arg5[%swap3A_388, %swap3A_389, %swap3A_390] {strides = array<i32>} : memref<2x8x4096xf32, #tpu.memory_space<vmem>>, vector<1x1x16xf32>,
        %swap3A_392 = vector.shape_cast %swap3A_391 : vector<1x1x16xf32> to vector<16xf32>
        %swap3A_393 = vector.shape_cast %broadcast_in_dim3A_232 : vector<16xf32> to vector<1x1x16xf32>
        tpu.vector_store %arg5[%swap3A_388, %swap3A_389, %swap3A_390], %swap3A_393 {strides = array<i32>} : memref<2x8x4096xf32, #tpu.memory_space<vmem>>, vector<1x1x16xf32>,
        %add3A_394 = arith.constant 96 : i32
        %add3A_395 = arith.addi %mul3A_334, %add3A_394 : i32
        %swap3A_396 = arith.constant 1 : i32
        %swap3A_397 = arith.constant 2 : i32
        %swap3A_398 = arith.index_cast %swap3A_396 : i32 to index
        %swap3A_399 = arith.index_cast %swap3A_397 : i32 to index
        %swap3A_400 = arith.index_cast %add3A_395 : i32 to index
        %swap3A_401 = tpu.vector_load %arg5[%swap3A_398, %swap3A_399, %swap3A_400] {strides = array<i32>} : memref<2x8x4096xf32, #tpu.memory_space<vmem>>, vector<1x1x16xf32>,
        %swap3A_402 = vector.shape_cast %swap3A_401 : vector<1x1x16xf32> to vector<16xf32>
        %swap3A_403 = vector.shape_cast %broadcast_in_dim3A_232 : vector<16xf32> to vector<1x1x16xf32>
        tpu.vector_store %arg5[%swap3A_398, %swap3A_399, %swap3A_400], %swap3A_403 {strides = array<i32>} : memref<2x8x4096xf32, #tpu.memory_space<vmem>>, vector<1x1x16xf32>,
        %add3A_404 = arith.constant 112 : i32
        %add3A_405 = arith.addi %mul3A_334, %add3A_404 : i32
        %swap3A_406 = arith.constant 1 : i32
        %swap3A_407 = arith.constant 2 : i32
        %swap3A_408 = arith.index_cast %swap3A_406 : i32 to index
        %swap3A_409 = arith.index_cast %swap3A_407 : i32 to index
        %swap3A_410 = arith.index_cast %add3A_405 : i32 to index
        %swap3A_411 = tpu.vector_load %arg5[%swap3A_408, %swap3A_409, %swap3A_410] {strides = array<i32>} : memref<2x8x4096xf32, #tpu.memory_space<vmem>>, vector<1x1x16xf32>,
        %swap3A_412 = vector.shape_cast %swap3A_411 : vector<1x1x16xf32> to vector<16xf32>
        %swap3A_413 = vector.shape_cast %broadcast_in_dim3A_232 : vector<16xf32> to vector<1x1x16xf32>
        tpu.vector_store %arg5[%swap3A_408, %swap3A_409, %swap3A_410], %swap3A_413 {strides = array<i32>} : memref<2x8x4096xf32, #tpu.memory_space<vmem>>, vector<1x1x16xf32>,
      }
      %scan3A_238 = arith.constant 32 : i32
      %mul3A_239 = arith.constant 8 : i32
      %mul3A_240 = arith.muli %add3A_182, %mul3A_239 : i32
      %add3A_241 = arith.constant 3 : i32
      %add3A_242 = arith.addi %mul3A_240, %add3A_241 : i32
      %get3A_243 = arith.index_cast %add3A_242 : i32 to index
      %get3A_244 = tpu.vector_load %arg4[%get3A_243] {strides = array<i32>} : memref<416xf32, #tpu.memory_space<vmem>>, vector<16xf32>,
      %get3A_245 = vector.shape_cast %get3A_244 : vector<16xf32> to vector<16xf32>
      %slice3A_246 = vector.extract_strided_slice %get3A_245 {offsets = [0], sizes = [1], strides = [1]} : vector<16xf32> to vector<1xf32>
      %squeeze3A_247 = vector.extract %slice3A_246[0] : f32 from vector<1xf32>
      %broadcast_in_dim3A_248 = vector.broadcast %squeeze3A_247 : f32 to vector<16xf32>
      %scan3A_249 = arith.constant 0 : i32
      %scan3A_250 = arith.constant 0 : i32
      %scan3A_251 = arith.constant 32 : i32
      %scan3A_252 = arith.addi %scan3A_250, %scan3A_251 : i32
      %scan3A_253 = arith.constant 1 : i32
      scf.for %scan3A_332 = %scan3A_250 to %scan3A_252 step %scan3A_253  : i32 {
        %mul3A_333 = arith.constant 128 : i32
        %mul3A_334 = arith.muli %scan3A_332, %mul3A_333 : i32
        %add3A_335 = arith.constant 0 : i32
        %add3A_336 = arith.addi %mul3A_334, %add3A_335 : i32
        %swap3A = arith.constant 1 : i32
        %swap3A_337 = arith.constant 3 : i32
        %swap3A_338 = arith.index_cast %swap3A : i32 to index
        %swap3A_339 = arith.index_cast %swap3A_337 : i32 to index
        %swap3A_340 = arith.index_cast %add3A_336 : i32 to index
        %swap3A_341 = tpu.vector_load %arg5[%swap3A_338, %swap3A_339, %swap3A_340] {strides = array<i32>} : memref<2x8x4096xf32, #tpu.memory_space<vmem>>, vector<1x1x16xf32>,
        %swap3A_342 = vector.shape_cast %swap3A_341 : vector<1x1x16xf32> to vector<16xf32>
        %swap3A_343 = vector.shape_cast %broadcast_in_dim3A_248 : vector<16xf32> to vector<1x1x16xf32>
        tpu.vector_store %arg5[%swap3A_338, %swap3A_339, %swap3A_340], %swap3A_343 {strides = array<i32>} : memref<2x8x4096xf32, #tpu.memory_space<vmem>>, vector<1x1x16xf32>,
        %add3A_344 = arith.constant 16 : i32
        %add3A_345 = arith.addi %mul3A_334, %add3A_344 : i32
        %swap3A_346 = arith.constant 1 : i32
        %swap3A_347 = arith.constant 3 : i32
        %swap3A_348 = arith.index_cast %swap3A_346 : i32 to index
        %swap3A_349 = arith.index_cast %swap3A_347 : i32 to index
        %swap3A_350 = arith.index_cast %add3A_345 : i32 to index
        %swap3A_351 = tpu.vector_load %arg5[%swap3A_348, %swap3A_349, %swap3A_350] {strides = array<i32>} : memref<2x8x4096xf32, #tpu.memory_space<vmem>>, vector<1x1x16xf32>,
        %swap3A_352 = vector.shape_cast %swap3A_351 : vector<1x1x16xf32> to vector<16xf32>
        %swap3A_353 = vector.shape_cast %broadcast_in_dim3A_248 : vector<16xf32> to vector<1x1x16xf32>
        tpu.vector_store %arg5[%swap3A_348, %swap3A_349, %swap3A_350], %swap3A_353 {strides = array<i32>} : memref<2x8x4096xf32, #tpu.memory_space<vmem>>, vector<1x1x16xf32>,
        %add3A_354 = arith.constant 32 : i32
        %add3A_355 = arith.addi %mul3A_334, %add3A_354 : i32
        %swap3A_356 = arith.constant 1 : i32
        %swap3A_357 = arith.constant 3 : i32
        %swap3A_358 = arith.index_cast %swap3A_356 : i32 to index
        %swap3A_359 = arith.index_cast %swap3A_357 : i32 to index
        %swap3A_360 = arith.index_cast %add3A_355 : i32 to index
        %swap3A_361 = tpu.vector_load %arg5[%swap3A_358, %swap3A_359, %swap3A_360] {strides = array<i32>} : memref<2x8x4096xf32, #tpu.memory_space<vmem>>, vector<1x1x16xf32>,
        %swap3A_362 = vector.shape_cast %swap3A_361 : vector<1x1x16xf32> to vector<16xf32>
        %swap3A_363 = vector.shape_cast %broadcast_in_dim3A_248 : vector<16xf32> to vector<1x1x16xf32>
        tpu.vector_store %arg5[%swap3A_358, %swap3A_359, %swap3A_360], %swap3A_363 {strides = array<i32>} : memref<2x8x4096xf32, #tpu.memory_space<vmem>>, vector<1x1x16xf32>,
        %add3A_364 = arith.constant 48 : i32
        %add3A_365 = arith.addi %mul3A_334, %add3A_364 : i32
        %swap3A_366 = arith.constant 1 : i32
        %swap3A_367 = arith.constant 3 : i32
        %swap3A_368 = arith.index_cast %swap3A_366 : i32 to index
        %swap3A_369 = arith.index_cast %swap3A_367 : i32 to index
        %swap3A_370 = arith.index_cast %add3A_365 : i32 to index
        %swap3A_371 = tpu.vector_load %arg5[%swap3A_368, %swap3A_369, %swap3A_370] {strides = array<i32>} : memref<2x8x4096xf32, #tpu.memory_space<vmem>>, vector<1x1x16xf32>,
        %swap3A_372 = vector.shape_cast %swap3A_371 : vector<1x1x16xf32> to vector<16xf32>
        %swap3A_373 = vector.shape_cast %broadcast_in_dim3A_248 : vector<16xf32> to vector<1x1x16xf32>
        tpu.vector_store %arg5[%swap3A_368, %swap3A_369, %swap3A_370], %swap3A_373 {strides = array<i32>} : memref<2x8x4096xf32, #tpu.memory_space<vmem>>, vector<1x1x16xf32>,
        %add3A_374 = arith.constant 64 : i32
        %add3A_375 = arith.addi %mul3A_334, %add3A_374 : i32
        %swap3A_376 = arith.constant 1 : i32
        %swap3A_377 = arith.constant 3 : i32
        %swap3A_378 = arith.index_cast %swap3A_376 : i32 to index
        %swap3A_379 = arith.index_cast %swap3A_377 : i32 to index
        %swap3A_380 = arith.index_cast %add3A_375 : i32 to index
        %swap3A_381 = tpu.vector_load %arg5[%swap3A_378, %swap3A_379, %swap3A_380] {strides = array<i32>} : memref<2x8x4096xf32, #tpu.memory_space<vmem>>, vector<1x1x16xf32>,
        %swap3A_382 = vector.shape_cast %swap3A_381 : vector<1x1x16xf32> to vector<16xf32>
        %swap3A_383 = vector.shape_cast %broadcast_in_dim3A_248 : vector<16xf32> to vector<1x1x16xf32>
        tpu.vector_store %arg5[%swap3A_378, %swap3A_379, %swap3A_380], %swap3A_383 {strides = array<i32>} : memref<2x8x4096xf32, #tpu.memory_space<vmem>>, vector<1x1x16xf32>,
        %add3A_384 = arith.constant 80 : i32
        %add3A_385 = arith.addi %mul3A_334, %add3A_384 : i32
        %swap3A_386 = arith.constant 1 : i32
        %swap3A_387 = arith.constant 3 : i32
        %swap3A_388 = arith.index_cast %swap3A_386 : i32 to index
        %swap3A_389 = arith.index_cast %swap3A_387 : i32 to index
        %swap3A_390 = arith.index_cast %add3A_385 : i32 to index
        %swap3A_391 = tpu.vector_load %arg5[%swap3A_388, %swap3A_389, %swap3A_390] {strides = array<i32>} : memref<2x8x4096xf32, #tpu.memory_space<vmem>>, vector<1x1x16xf32>,
        %swap3A_392 = vector.shape_cast %swap3A_391 : vector<1x1x16xf32> to vector<16xf32>
        %swap3A_393 = vector.shape_cast %broadcast_in_dim3A_248 : vector<16xf32> to vector<1x1x16xf32>
        tpu.vector_store %arg5[%swap3A_388, %swap3A_389, %swap3A_390], %swap3A_393 {strides = array<i32>} : memref<2x8x4096xf32, #tpu.memory_space<vmem>>, vector<1x1x16xf32>,
        %add3A_394 = arith.constant 96 : i32
        %add3A_395 = arith.addi %mul3A_334, %add3A_394 : i32
        %swap3A_396 = arith.constant 1 : i32
        %swap3A_397 = arith.constant 3 : i32
        %swap3A_398 = arith.index_cast %swap3A_396 : i32 to index
        %swap3A_399 = arith.index_cast %swap3A_397 : i32 to index
        %swap3A_400 = arith.index_cast %add3A_395 : i32 to index
        %swap3A_401 = tpu.vector_load %arg5[%swap3A_398, %swap3A_399, %swap3A_400] {strides = array<i32>} : memref<2x8x4096xf32, #tpu.memory_space<vmem>>, vector<1x1x16xf32>,
        %swap3A_402 = vector.shape_cast %swap3A_401 : vector<1x1x16xf32> to vector<16xf32>
        %swap3A_403 = vector.shape_cast %broadcast_in_dim3A_248 : vector<16xf32> to vector<1x1x16xf32>
        tpu.vector_store %arg5[%swap3A_398, %swap3A_399, %swap3A_400], %swap3A_403 {strides = array<i32>} : memref<2x8x4096xf32, #tpu.memory_space<vmem>>, vector<1x1x16xf32>,
        %add3A_404 = arith.constant 112 : i32
        %add3A_405 = arith.addi %mul3A_334, %add3A_404 : i32
        %swap3A_406 = arith.constant 1 : i32
        %swap3A_407 = arith.constant 3 : i32
        %swap3A_408 = arith.index_cast %swap3A_406 : i32 to index
        %swap3A_409 = arith.index_cast %swap3A_407 : i32 to index
        %swap3A_410 = arith.index_cast %add3A_405 : i32 to index
        %swap3A_411 = tpu.vector_load %arg5[%swap3A_408, %swap3A_409, %swap3A_410] {strides = array<i32>} : memref<2x8x4096xf32, #tpu.memory_space<vmem>>, vector<1x1x16xf32>,
        %swap3A_412 = vector.shape_cast %swap3A_411 : vector<1x1x16xf32> to vector<16xf32>
        %swap3A_413 = vector.shape_cast %broadcast_in_dim3A_248 : vector<16xf32> to vector<1x1x16xf32>
        tpu.vector_store %arg5[%swap3A_408, %swap3A_409, %swap3A_410], %swap3A_413 {strides = array<i32>} : memref<2x8x4096xf32, #tpu.memory_space<vmem>>, vector<1x1x16xf32>,
      }
      %scan3A_254 = arith.constant 32 : i32
      %mul3A_255 = arith.constant 8 : i32
      %mul3A_256 = arith.muli %add3A_182, %mul3A_255 : i32
      %add3A_257 = arith.constant 4 : i32
      %add3A_258 = arith.addi %mul3A_256, %add3A_257 : i32
      %get3A_259 = arith.index_cast %add3A_258 : i32 to index
      %get3A_260 = tpu.vector_load %arg4[%get3A_259] {strides = array<i32>} : memref<416xf32, #tpu.memory_space<vmem>>, vector<16xf32>,
      %get3A_261 = vector.shape_cast %get3A_260 : vector<16xf32> to vector<16xf32>
      %slice3A_262 = vector.extract_strided_slice %get3A_261 {offsets = [0], sizes = [1], strides = [1]} : vector<16xf32> to vector<1xf32>
      %squeeze3A_263 = vector.extract %slice3A_262[0] : f32 from vector<1xf32>
      %broadcast_in_dim3A_264 = vector.broadcast %squeeze3A_263 : f32 to vector<16xf32>
      %scan3A_265 = arith.constant 0 : i32
      %scan3A_266 = arith.constant 0 : i32
      %scan3A_267 = arith.constant 32 : i32
      %scan3A_268 = arith.addi %scan3A_266, %scan3A_267 : i32
      %scan3A_269 = arith.constant 1 : i32
      scf.for %scan3A_332 = %scan3A_266 to %scan3A_268 step %scan3A_269  : i32 {
        %mul3A_333 = arith.constant 128 : i32
        %mul3A_334 = arith.muli %scan3A_332, %mul3A_333 : i32
        %add3A_335 = arith.constant 0 : i32
        %add3A_336 = arith.addi %mul3A_334, %add3A_335 : i32
        %swap3A = arith.constant 1 : i32
        %swap3A_337 = arith.constant 4 : i32
        %swap3A_338 = arith.index_cast %swap3A : i32 to index
        %swap3A_339 = arith.index_cast %swap3A_337 : i32 to index
        %swap3A_340 = arith.index_cast %add3A_336 : i32 to index
        %swap3A_341 = tpu.vector_load %arg5[%swap3A_338, %swap3A_339, %swap3A_340] {strides = array<i32>} : memref<2x8x4096xf32, #tpu.memory_space<vmem>>, vector<1x1x16xf32>,
        %swap3A_342 = vector.shape_cast %swap3A_341 : vector<1x1x16xf32> to vector<16xf32>
        %swap3A_343 = vector.shape_cast %broadcast_in_dim3A_264 : vector<16xf32> to vector<1x1x16xf32>
        tpu.vector_store %arg5[%swap3A_338, %swap3A_339, %swap3A_340], %swap3A_343 {strides = array<i32>} : memref<2x8x4096xf32, #tpu.memory_space<vmem>>, vector<1x1x16xf32>,
        %add3A_344 = arith.constant 16 : i32
        %add3A_345 = arith.addi %mul3A_334, %add3A_344 : i32
        %swap3A_346 = arith.constant 1 : i32
        %swap3A_347 = arith.constant 4 : i32
        %swap3A_348 = arith.index_cast %swap3A_346 : i32 to index
        %swap3A_349 = arith.index_cast %swap3A_347 : i32 to index
        %swap3A_350 = arith.index_cast %add3A_345 : i32 to index
        %swap3A_351 = tpu.vector_load %arg5[%swap3A_348, %swap3A_349, %swap3A_350] {strides = array<i32>} : memref<2x8x4096xf32, #tpu.memory_space<vmem>>, vector<1x1x16xf32>,
        %swap3A_352 = vector.shape_cast %swap3A_351 : vector<1x1x16xf32> to vector<16xf32>
        %swap3A_353 = vector.shape_cast %broadcast_in_dim3A_264 : vector<16xf32> to vector<1x1x16xf32>
        tpu.vector_store %arg5[%swap3A_348, %swap3A_349, %swap3A_350], %swap3A_353 {strides = array<i32>} : memref<2x8x4096xf32, #tpu.memory_space<vmem>>, vector<1x1x16xf32>,
        %add3A_354 = arith.constant 32 : i32
        %add3A_355 = arith.addi %mul3A_334, %add3A_354 : i32
        %swap3A_356 = arith.constant 1 : i32
        %swap3A_357 = arith.constant 4 : i32
        %swap3A_358 = arith.index_cast %swap3A_356 : i32 to index
        %swap3A_359 = arith.index_cast %swap3A_357 : i32 to index
        %swap3A_360 = arith.index_cast %add3A_355 : i32 to index
        %swap3A_361 = tpu.vector_load %arg5[%swap3A_358, %swap3A_359, %swap3A_360] {strides = array<i32>} : memref<2x8x4096xf32, #tpu.memory_space<vmem>>, vector<1x1x16xf32>,
        %swap3A_362 = vector.shape_cast %swap3A_361 : vector<1x1x16xf32> to vector<16xf32>
        %swap3A_363 = vector.shape_cast %broadcast_in_dim3A_264 : vector<16xf32> to vector<1x1x16xf32>
        tpu.vector_store %arg5[%swap3A_358, %swap3A_359, %swap3A_360], %swap3A_363 {strides = array<i32>} : memref<2x8x4096xf32, #tpu.memory_space<vmem>>, vector<1x1x16xf32>,
        %add3A_364 = arith.constant 48 : i32
        %add3A_365 = arith.addi %mul3A_334, %add3A_364 : i32
        %swap3A_366 = arith.constant 1 : i32
        %swap3A_367 = arith.constant 4 : i32
        %swap3A_368 = arith.index_cast %swap3A_366 : i32 to index
        %swap3A_369 = arith.index_cast %swap3A_367 : i32 to index
        %swap3A_370 = arith.index_cast %add3A_365 : i32 to index
        %swap3A_371 = tpu.vector_load %arg5[%swap3A_368, %swap3A_369, %swap3A_370] {strides = array<i32>} : memref<2x8x4096xf32, #tpu.memory_space<vmem>>, vector<1x1x16xf32>,
        %swap3A_372 = vector.shape_cast %swap3A_371 : vector<1x1x16xf32> to vector<16xf32>
        %swap3A_373 = vector.shape_cast %broadcast_in_dim3A_264 : vector<16xf32> to vector<1x1x16xf32>
        tpu.vector_store %arg5[%swap3A_368, %swap3A_369, %swap3A_370], %swap3A_373 {strides = array<i32>} : memref<2x8x4096xf32, #tpu.memory_space<vmem>>, vector<1x1x16xf32>,
        %add3A_374 = arith.constant 64 : i32
        %add3A_375 = arith.addi %mul3A_334, %add3A_374 : i32
        %swap3A_376 = arith.constant 1 : i32
        %swap3A_377 = arith.constant 4 : i32
        %swap3A_378 = arith.index_cast %swap3A_376 : i32 to index
        %swap3A_379 = arith.index_cast %swap3A_377 : i32 to index
        %swap3A_380 = arith.index_cast %add3A_375 : i32 to index
        %swap3A_381 = tpu.vector_load %arg5[%swap3A_378, %swap3A_379, %swap3A_380] {strides = array<i32>} : memref<2x8x4096xf32, #tpu.memory_space<vmem>>, vector<1x1x16xf32>,
        %swap3A_382 = vector.shape_cast %swap3A_381 : vector<1x1x16xf32> to vector<16xf32>
        %swap3A_383 = vector.shape_cast %broadcast_in_dim3A_264 : vector<16xf32> to vector<1x1x16xf32>
        tpu.vector_store %arg5[%swap3A_378, %swap3A_379, %swap3A_380], %swap3A_383 {strides = array<i32>} : memref<2x8x4096xf32, #tpu.memory_space<vmem>>, vector<1x1x16xf32>,
        %add3A_384 = arith.constant 80 : i32
        %add3A_385 = arith.addi %mul3A_334, %add3A_384 : i32
        %swap3A_386 = arith.constant 1 : i32
        %swap3A_387 = arith.constant 4 : i32
        %swap3A_388 = arith.index_cast %swap3A_386 : i32 to index
        %swap3A_389 = arith.index_cast %swap3A_387 : i32 to index
        %swap3A_390 = arith.index_cast %add3A_385 : i32 to index
        %swap3A_391 = tpu.vector_load %arg5[%swap3A_388, %swap3A_389, %swap3A_390] {strides = array<i32>} : memref<2x8x4096xf32, #tpu.memory_space<vmem>>, vector<1x1x16xf32>,
        %swap3A_392 = vector.shape_cast %swap3A_391 : vector<1x1x16xf32> to vector<16xf32>
        %swap3A_393 = vector.shape_cast %broadcast_in_dim3A_264 : vector<16xf32> to vector<1x1x16xf32>
        tpu.vector_store %arg5[%swap3A_388, %swap3A_389, %swap3A_390], %swap3A_393 {strides = array<i32>} : memref<2x8x4096xf32, #tpu.memory_space<vmem>>, vector<1x1x16xf32>,
        %add3A_394 = arith.constant 96 : i32
        %add3A_395 = arith.addi %mul3A_334, %add3A_394 : i32
        %swap3A_396 = arith.constant 1 : i32
        %swap3A_397 = arith.constant 4 : i32
        %swap3A_398 = arith.index_cast %swap3A_396 : i32 to index
        %swap3A_399 = arith.index_cast %swap3A_397 : i32 to index
        %swap3A_400 = arith.index_cast %add3A_395 : i32 to index
        %swap3A_401 = tpu.vector_load %arg5[%swap3A_398, %swap3A_399, %swap3A_400] {strides = array<i32>} : memref<2x8x4096xf32, #tpu.memory_space<vmem>>, vector<1x1x16xf32>,
        %swap3A_402 = vector.shape_cast %swap3A_401 : vector<1x1x16xf32> to vector<16xf32>
        %swap3A_403 = vector.shape_cast %broadcast_in_dim3A_264 : vector<16xf32> to vector<1x1x16xf32>
        tpu.vector_store %arg5[%swap3A_398, %swap3A_399, %swap3A_400], %swap3A_403 {strides = array<i32>} : memref<2x8x4096xf32, #tpu.memory_space<vmem>>, vector<1x1x16xf32>,
        %add3A_404 = arith.constant 112 : i32
        %add3A_405 = arith.addi %mul3A_334, %add3A_404 : i32
        %swap3A_406 = arith.constant 1 : i32
        %swap3A_407 = arith.constant 4 : i32
        %swap3A_408 = arith.index_cast %swap3A_406 : i32 to index
        %swap3A_409 = arith.index_cast %swap3A_407 : i32 to index
        %swap3A_410 = arith.index_cast %add3A_405 : i32 to index
        %swap3A_411 = tpu.vector_load %arg5[%swap3A_408, %swap3A_409, %swap3A_410] {strides = array<i32>} : memref<2x8x4096xf32, #tpu.memory_space<vmem>>, vector<1x1x16xf32>,
        %swap3A_412 = vector.shape_cast %swap3A_411 : vector<1x1x16xf32> to vector<16xf32>
        %swap3A_413 = vector.shape_cast %broadcast_in_dim3A_264 : vector<16xf32> to vector<1x1x16xf32>
        tpu.vector_store %arg5[%swap3A_408, %swap3A_409, %swap3A_410], %swap3A_413 {strides = array<i32>} : memref<2x8x4096xf32, #tpu.memory_space<vmem>>, vector<1x1x16xf32>,
      }
      %scan3A_270 = arith.constant 32 : i32
      %mul3A_271 = arith.constant 8 : i32
      %mul3A_272 = arith.muli %add3A_182, %mul3A_271 : i32
      %add3A_273 = arith.constant 5 : i32
      %add3A_274 = arith.addi %mul3A_272, %add3A_273 : i32
      %get3A_275 = arith.index_cast %add3A_274 : i32 to index
      %get3A_276 = tpu.vector_load %arg4[%get3A_275] {strides = array<i32>} : memref<416xf32, #tpu.memory_space<vmem>>, vector<16xf32>,
      %get3A_277 = vector.shape_cast %get3A_276 : vector<16xf32> to vector<16xf32>
      %slice3A_278 = vector.extract_strided_slice %get3A_277 {offsets = [0], sizes = [1], strides = [1]} : vector<16xf32> to vector<1xf32>
      %squeeze3A_279 = vector.extract %slice3A_278[0] : f32 from vector<1xf32>
      %broadcast_in_dim3A_280 = vector.broadcast %squeeze3A_279 : f32 to vector<16xf32>
      %scan3A_281 = arith.constant 0 : i32
      %scan3A_282 = arith.constant 0 : i32
      %scan3A_283 = arith.constant 32 : i32
      %scan3A_284 = arith.addi %scan3A_282, %scan3A_283 : i32
      %scan3A_285 = arith.constant 1 : i32
      scf.for %scan3A_332 = %scan3A_282 to %scan3A_284 step %scan3A_285  : i32 {
        %mul3A_333 = arith.constant 128 : i32
        %mul3A_334 = arith.muli %scan3A_332, %mul3A_333 : i32
        %add3A_335 = arith.constant 0 : i32
        %add3A_336 = arith.addi %mul3A_334, %add3A_335 : i32
        %swap3A = arith.constant 1 : i32
        %swap3A_337 = arith.constant 5 : i32
        %swap3A_338 = arith.index_cast %swap3A : i32 to index
        %swap3A_339 = arith.index_cast %swap3A_337 : i32 to index
        %swap3A_340 = arith.index_cast %add3A_336 : i32 to index
        %swap3A_341 = tpu.vector_load %arg5[%swap3A_338, %swap3A_339, %swap3A_340] {strides = array<i32>} : memref<2x8x4096xf32, #tpu.memory_space<vmem>>, vector<1x1x16xf32>,
        %swap3A_342 = vector.shape_cast %swap3A_341 : vector<1x1x16xf32> to vector<16xf32>
        %swap3A_343 = vector.shape_cast %broadcast_in_dim3A_280 : vector<16xf32> to vector<1x1x16xf32>
        tpu.vector_store %arg5[%swap3A_338, %swap3A_339, %swap3A_340], %swap3A_343 {strides = array<i32>} : memref<2x8x4096xf32, #tpu.memory_space<vmem>>, vector<1x1x16xf32>,
        %add3A_344 = arith.constant 16 : i32
        %add3A_345 = arith.addi %mul3A_334, %add3A_344 : i32
        %swap3A_346 = arith.constant 1 : i32
        %swap3A_347 = arith.constant 5 : i32
        %swap3A_348 = arith.index_cast %swap3A_346 : i32 to index
        %swap3A_349 = arith.index_cast %swap3A_347 : i32 to index
        %swap3A_350 = arith.index_cast %add3A_345 : i32 to index
        %swap3A_351 = tpu.vector_load %arg5[%swap3A_348, %swap3A_349, %swap3A_350] {strides = array<i32>} : memref<2x8x4096xf32, #tpu.memory_space<vmem>>, vector<1x1x16xf32>,
        %swap3A_352 = vector.shape_cast %swap3A_351 : vector<1x1x16xf32> to vector<16xf32>
        %swap3A_353 = vector.shape_cast %broadcast_in_dim3A_280 : vector<16xf32> to vector<1x1x16xf32>
        tpu.vector_store %arg5[%swap3A_348, %swap3A_349, %swap3A_350], %swap3A_353 {strides = array<i32>} : memref<2x8x4096xf32, #tpu.memory_space<vmem>>, vector<1x1x16xf32>,
        %add3A_354 = arith.constant 32 : i32
        %add3A_355 = arith.addi %mul3A_334, %add3A_354 : i32
        %swap3A_356 = arith.constant 1 : i32
        %swap3A_357 = arith.constant 5 : i32
        %swap3A_358 = arith.index_cast %swap3A_356 : i32 to index
        %swap3A_359 = arith.index_cast %swap3A_357 : i32 to index
        %swap3A_360 = arith.index_cast %add3A_355 : i32 to index
        %swap3A_361 = tpu.vector_load %arg5[%swap3A_358, %swap3A_359, %swap3A_360] {strides = array<i32>} : memref<2x8x4096xf32, #tpu.memory_space<vmem>>, vector<1x1x16xf32>,
        %swap3A_362 = vector.shape_cast %swap3A_361 : vector<1x1x16xf32> to vector<16xf32>
        %swap3A_363 = vector.shape_cast %broadcast_in_dim3A_280 : vector<16xf32> to vector<1x1x16xf32>
        tpu.vector_store %arg5[%swap3A_358, %swap3A_359, %swap3A_360], %swap3A_363 {strides = array<i32>} : memref<2x8x4096xf32, #tpu.memory_space<vmem>>, vector<1x1x16xf32>,
        %add3A_364 = arith.constant 48 : i32
        %add3A_365 = arith.addi %mul3A_334, %add3A_364 : i32
        %swap3A_366 = arith.constant 1 : i32
        %swap3A_367 = arith.constant 5 : i32
        %swap3A_368 = arith.index_cast %swap3A_366 : i32 to index
        %swap3A_369 = arith.index_cast %swap3A_367 : i32 to index
        %swap3A_370 = arith.index_cast %add3A_365 : i32 to index
        %swap3A_371 = tpu.vector_load %arg5[%swap3A_368, %swap3A_369, %swap3A_370] {strides = array<i32>} : memref<2x8x4096xf32, #tpu.memory_space<vmem>>, vector<1x1x16xf32>,
        %swap3A_372 = vector.shape_cast %swap3A_371 : vector<1x1x16xf32> to vector<16xf32>
        %swap3A_373 = vector.shape_cast %broadcast_in_dim3A_280 : vector<16xf32> to vector<1x1x16xf32>
        tpu.vector_store %arg5[%swap3A_368, %swap3A_369, %swap3A_370], %swap3A_373 {strides = array<i32>} : memref<2x8x4096xf32, #tpu.memory_space<vmem>>, vector<1x1x16xf32>,
        %add3A_374 = arith.constant 64 : i32
        %add3A_375 = arith.addi %mul3A_334, %add3A_374 : i32
        %swap3A_376 = arith.constant 1 : i32
        %swap3A_377 = arith.constant 5 : i32
        %swap3A_378 = arith.index_cast %swap3A_376 : i32 to index
        %swap3A_379 = arith.index_cast %swap3A_377 : i32 to index
        %swap3A_380 = arith.index_cast %add3A_375 : i32 to index
        %swap3A_381 = tpu.vector_load %arg5[%swap3A_378, %swap3A_379, %swap3A_380] {strides = array<i32>} : memref<2x8x4096xf32, #tpu.memory_space<vmem>>, vector<1x1x16xf32>,
        %swap3A_382 = vector.shape_cast %swap3A_381 : vector<1x1x16xf32> to vector<16xf32>
        %swap3A_383 = vector.shape_cast %broadcast_in_dim3A_280 : vector<16xf32> to vector<1x1x16xf32>
        tpu.vector_store %arg5[%swap3A_378, %swap3A_379, %swap3A_380], %swap3A_383 {strides = array<i32>} : memref<2x8x4096xf32, #tpu.memory_space<vmem>>, vector<1x1x16xf32>,
        %add3A_384 = arith.constant 80 : i32
        %add3A_385 = arith.addi %mul3A_334, %add3A_384 : i32
        %swap3A_386 = arith.constant 1 : i32
        %swap3A_387 = arith.constant 5 : i32
        %swap3A_388 = arith.index_cast %swap3A_386 : i32 to index
        %swap3A_389 = arith.index_cast %swap3A_387 : i32 to index
        %swap3A_390 = arith.index_cast %add3A_385 : i32 to index
        %swap3A_391 = tpu.vector_load %arg5[%swap3A_388, %swap3A_389, %swap3A_390] {strides = array<i32>} : memref<2x8x4096xf32, #tpu.memory_space<vmem>>, vector<1x1x16xf32>,
        %swap3A_392 = vector.shape_cast %swap3A_391 : vector<1x1x16xf32> to vector<16xf32>
        %swap3A_393 = vector.shape_cast %broadcast_in_dim3A_280 : vector<16xf32> to vector<1x1x16xf32>
        tpu.vector_store %arg5[%swap3A_388, %swap3A_389, %swap3A_390], %swap3A_393 {strides = array<i32>} : memref<2x8x4096xf32, #tpu.memory_space<vmem>>, vector<1x1x16xf32>,
        %add3A_394 = arith.constant 96 : i32
        %add3A_395 = arith.addi %mul3A_334, %add3A_394 : i32
        %swap3A_396 = arith.constant 1 : i32
        %swap3A_397 = arith.constant 5 : i32
        %swap3A_398 = arith.index_cast %swap3A_396 : i32 to index
        %swap3A_399 = arith.index_cast %swap3A_397 : i32 to index
        %swap3A_400 = arith.index_cast %add3A_395 : i32 to index
        %swap3A_401 = tpu.vector_load %arg5[%swap3A_398, %swap3A_399, %swap3A_400] {strides = array<i32>} : memref<2x8x4096xf32, #tpu.memory_space<vmem>>, vector<1x1x16xf32>,
        %swap3A_402 = vector.shape_cast %swap3A_401 : vector<1x1x16xf32> to vector<16xf32>
        %swap3A_403 = vector.shape_cast %broadcast_in_dim3A_280 : vector<16xf32> to vector<1x1x16xf32>
        tpu.vector_store %arg5[%swap3A_398, %swap3A_399, %swap3A_400], %swap3A_403 {strides = array<i32>} : memref<2x8x4096xf32, #tpu.memory_space<vmem>>, vector<1x1x16xf32>,
        %add3A_404 = arith.constant 112 : i32
        %add3A_405 = arith.addi %mul3A_334, %add3A_404 : i32
        %swap3A_406 = arith.constant 1 : i32
        %swap3A_407 = arith.constant 5 : i32
        %swap3A_408 = arith.index_cast %swap3A_406 : i32 to index
        %swap3A_409 = arith.index_cast %swap3A_407 : i32 to index
        %swap3A_410 = arith.index_cast %add3A_405 : i32 to index
        %swap3A_411 = tpu.vector_load %arg5[%swap3A_408, %swap3A_409, %swap3A_410] {strides = array<i32>} : memref<2x8x4096xf32, #tpu.memory_space<vmem>>, vector<1x1x16xf32>,
        %swap3A_412 = vector.shape_cast %swap3A_411 : vector<1x1x16xf32> to vector<16xf32>
        %swap3A_413 = vector.shape_cast %broadcast_in_dim3A_280 : vector<16xf32> to vector<1x1x16xf32>
        tpu.vector_store %arg5[%swap3A_408, %swap3A_409, %swap3A_410], %swap3A_413 {strides = array<i32>} : memref<2x8x4096xf32, #tpu.memory_space<vmem>>, vector<1x1x16xf32>,
      }
      %scan3A_286 = arith.constant 32 : i32
      %mul3A_287 = arith.constant 8 : i32
      %mul3A_288 = arith.muli %add3A_182, %mul3A_287 : i32
      %add3A_289 = arith.constant 6 : i32
      %add3A_290 = arith.addi %mul3A_288, %add3A_289 : i32
      %get3A_291 = arith.index_cast %add3A_290 : i32 to index
      %get3A_292 = tpu.vector_load %arg4[%get3A_291] {strides = array<i32>} : memref<416xf32, #tpu.memory_space<vmem>>, vector<16xf32>,
      %get3A_293 = vector.shape_cast %get3A_292 : vector<16xf32> to vector<16xf32>
      %slice3A_294 = vector.extract_strided_slice %get3A_293 {offsets = [0], sizes = [1], strides = [1]} : vector<16xf32> to vector<1xf32>
      %squeeze3A_295 = vector.extract %slice3A_294[0] : f32 from vector<1xf32>
      %broadcast_in_dim3A_296 = vector.broadcast %squeeze3A_295 : f32 to vector<16xf32>
      %scan3A_297 = arith.constant 0 : i32
      %scan3A_298 = arith.constant 0 : i32
      %scan3A_299 = arith.constant 32 : i32
      %scan3A_300 = arith.addi %scan3A_298, %scan3A_299 : i32
      %scan3A_301 = arith.constant 1 : i32
      scf.for %scan3A_332 = %scan3A_298 to %scan3A_300 step %scan3A_301  : i32 {
        %mul3A_333 = arith.constant 128 : i32
        %mul3A_334 = arith.muli %scan3A_332, %mul3A_333 : i32
        %add3A_335 = arith.constant 0 : i32
        %add3A_336 = arith.addi %mul3A_334, %add3A_335 : i32
        %swap3A = arith.constant 1 : i32
        %swap3A_337 = arith.constant 6 : i32
        %swap3A_338 = arith.index_cast %swap3A : i32 to index
        %swap3A_339 = arith.index_cast %swap3A_337 : i32 to index
        %swap3A_340 = arith.index_cast %add3A_336 : i32 to index
        %swap3A_341 = tpu.vector_load %arg5[%swap3A_338, %swap3A_339, %swap3A_340] {strides = array<i32>} : memref<2x8x4096xf32, #tpu.memory_space<vmem>>, vector<1x1x16xf32>,
        %swap3A_342 = vector.shape_cast %swap3A_341 : vector<1x1x16xf32> to vector<16xf32>
        %swap3A_343 = vector.shape_cast %broadcast_in_dim3A_296 : vector<16xf32> to vector<1x1x16xf32>
        tpu.vector_store %arg5[%swap3A_338, %swap3A_339, %swap3A_340], %swap3A_343 {strides = array<i32>} : memref<2x8x4096xf32, #tpu.memory_space<vmem>>, vector<1x1x16xf32>,
        %add3A_344 = arith.constant 16 : i32
        %add3A_345 = arith.addi %mul3A_334, %add3A_344 : i32
        %swap3A_346 = arith.constant 1 : i32
        %swap3A_347 = arith.constant 6 : i32
        %swap3A_348 = arith.index_cast %swap3A_346 : i32 to index
        %swap3A_349 = arith.index_cast %swap3A_347 : i32 to index
        %swap3A_350 = arith.index_cast %add3A_345 : i32 to index
        %swap3A_351 = tpu.vector_load %arg5[%swap3A_348, %swap3A_349, %swap3A_350] {strides = array<i32>} : memref<2x8x4096xf32, #tpu.memory_space<vmem>>, vector<1x1x16xf32>,
        %swap3A_352 = vector.shape_cast %swap3A_351 : vector<1x1x16xf32> to vector<16xf32>
        %swap3A_353 = vector.shape_cast %broadcast_in_dim3A_296 : vector<16xf32> to vector<1x1x16xf32>
        tpu.vector_store %arg5[%swap3A_348, %swap3A_349, %swap3A_350], %swap3A_353 {strides = array<i32>} : memref<2x8x4096xf32, #tpu.memory_space<vmem>>, vector<1x1x16xf32>,
        %add3A_354 = arith.constant 32 : i32
        %add3A_355 = arith.addi %mul3A_334, %add3A_354 : i32
        %swap3A_356 = arith.constant 1 : i32
        %swap3A_357 = arith.constant 6 : i32
        %swap3A_358 = arith.index_cast %swap3A_356 : i32 to index
        %swap3A_359 = arith.index_cast %swap3A_357 : i32 to index
        %swap3A_360 = arith.index_cast %add3A_355 : i32 to index
        %swap3A_361 = tpu.vector_load %arg5[%swap3A_358, %swap3A_359, %swap3A_360] {strides = array<i32>} : memref<2x8x4096xf32, #tpu.memory_space<vmem>>, vector<1x1x16xf32>,
        %swap3A_362 = vector.shape_cast %swap3A_361 : vector<1x1x16xf32> to vector<16xf32>
        %swap3A_363 = vector.shape_cast %broadcast_in_dim3A_296 : vector<16xf32> to vector<1x1x16xf32>
        tpu.vector_store %arg5[%swap3A_358, %swap3A_359, %swap3A_360], %swap3A_363 {strides = array<i32>} : memref<2x8x4096xf32, #tpu.memory_space<vmem>>, vector<1x1x16xf32>,
        %add3A_364 = arith.constant 48 : i32
        %add3A_365 = arith.addi %mul3A_334, %add3A_364 : i32
        %swap3A_366 = arith.constant 1 : i32
        %swap3A_367 = arith.constant 6 : i32
        %swap3A_368 = arith.index_cast %swap3A_366 : i32 to index
        %swap3A_369 = arith.index_cast %swap3A_367 : i32 to index
        %swap3A_370 = arith.index_cast %add3A_365 : i32 to index
        %swap3A_371 = tpu.vector_load %arg5[%swap3A_368, %swap3A_369, %swap3A_370] {strides = array<i32>} : memref<2x8x4096xf32, #tpu.memory_space<vmem>>, vector<1x1x16xf32>,
        %swap3A_372 = vector.shape_cast %swap3A_371 : vector<1x1x16xf32> to vector<16xf32>
        %swap3A_373 = vector.shape_cast %broadcast_in_dim3A_296 : vector<16xf32> to vector<1x1x16xf32>
        tpu.vector_store %arg5[%swap3A_368, %swap3A_369, %swap3A_370], %swap3A_373 {strides = array<i32>} : memref<2x8x4096xf32, #tpu.memory_space<vmem>>, vector<1x1x16xf32>,
        %add3A_374 = arith.constant 64 : i32
        %add3A_375 = arith.addi %mul3A_334, %add3A_374 : i32
        %swap3A_376 = arith.constant 1 : i32
        %swap3A_377 = arith.constant 6 : i32
        %swap3A_378 = arith.index_cast %swap3A_376 : i32 to index
        %swap3A_379 = arith.index_cast %swap3A_377 : i32 to index
        %swap3A_380 = arith.index_cast %add3A_375 : i32 to index
        %swap3A_381 = tpu.vector_load %arg5[%swap3A_378, %swap3A_379, %swap3A_380] {strides = array<i32>} : memref<2x8x4096xf32, #tpu.memory_space<vmem>>, vector<1x1x16xf32>,
        %swap3A_382 = vector.shape_cast %swap3A_381 : vector<1x1x16xf32> to vector<16xf32>
        %swap3A_383 = vector.shape_cast %broadcast_in_dim3A_296 : vector<16xf32> to vector<1x1x16xf32>
        tpu.vector_store %arg5[%swap3A_378, %swap3A_379, %swap3A_380], %swap3A_383 {strides = array<i32>} : memref<2x8x4096xf32, #tpu.memory_space<vmem>>, vector<1x1x16xf32>,
        %add3A_384 = arith.constant 80 : i32
        %add3A_385 = arith.addi %mul3A_334, %add3A_384 : i32
        %swap3A_386 = arith.constant 1 : i32
        %swap3A_387 = arith.constant 6 : i32
        %swap3A_388 = arith.index_cast %swap3A_386 : i32 to index
        %swap3A_389 = arith.index_cast %swap3A_387 : i32 to index
        %swap3A_390 = arith.index_cast %add3A_385 : i32 to index
        %swap3A_391 = tpu.vector_load %arg5[%swap3A_388, %swap3A_389, %swap3A_390] {strides = array<i32>} : memref<2x8x4096xf32, #tpu.memory_space<vmem>>, vector<1x1x16xf32>,
        %swap3A_392 = vector.shape_cast %swap3A_391 : vector<1x1x16xf32> to vector<16xf32>
        %swap3A_393 = vector.shape_cast %broadcast_in_dim3A_296 : vector<16xf32> to vector<1x1x16xf32>
        tpu.vector_store %arg5[%swap3A_388, %swap3A_389, %swap3A_390], %swap3A_393 {strides = array<i32>} : memref<2x8x4096xf32, #tpu.memory_space<vmem>>, vector<1x1x16xf32>,
        %add3A_394 = arith.constant 96 : i32
        %add3A_395 = arith.addi %mul3A_334, %add3A_394 : i32
        %swap3A_396 = arith.constant 1 : i32
        %swap3A_397 = arith.constant 6 : i32
        %swap3A_398 = arith.index_cast %swap3A_396 : i32 to index
        %swap3A_399 = arith.index_cast %swap3A_397 : i32 to index
        %swap3A_400 = arith.index_cast %add3A_395 : i32 to index
        %swap3A_401 = tpu.vector_load %arg5[%swap3A_398, %swap3A_399, %swap3A_400] {strides = array<i32>} : memref<2x8x4096xf32, #tpu.memory_space<vmem>>, vector<1x1x16xf32>,
        %swap3A_402 = vector.shape_cast %swap3A_401 : vector<1x1x16xf32> to vector<16xf32>
        %swap3A_403 = vector.shape_cast %broadcast_in_dim3A_296 : vector<16xf32> to vector<1x1x16xf32>
        tpu.vector_store %arg5[%swap3A_398, %swap3A_399, %swap3A_400], %swap3A_403 {strides = array<i32>} : memref<2x8x4096xf32, #tpu.memory_space<vmem>>, vector<1x1x16xf32>,
        %add3A_404 = arith.constant 112 : i32
        %add3A_405 = arith.addi %mul3A_334, %add3A_404 : i32
        %swap3A_406 = arith.constant 1 : i32
        %swap3A_407 = arith.constant 6 : i32
        %swap3A_408 = arith.index_cast %swap3A_406 : i32 to index
        %swap3A_409 = arith.index_cast %swap3A_407 : i32 to index
        %swap3A_410 = arith.index_cast %add3A_405 : i32 to index
        %swap3A_411 = tpu.vector_load %arg5[%swap3A_408, %swap3A_409, %swap3A_410] {strides = array<i32>} : memref<2x8x4096xf32, #tpu.memory_space<vmem>>, vector<1x1x16xf32>,
        %swap3A_412 = vector.shape_cast %swap3A_411 : vector<1x1x16xf32> to vector<16xf32>
        %swap3A_413 = vector.shape_cast %broadcast_in_dim3A_296 : vector<16xf32> to vector<1x1x16xf32>
        tpu.vector_store %arg5[%swap3A_408, %swap3A_409, %swap3A_410], %swap3A_413 {strides = array<i32>} : memref<2x8x4096xf32, #tpu.memory_space<vmem>>, vector<1x1x16xf32>,
      }
      %scan3A_302 = arith.constant 32 : i32
      %mul3A_303 = arith.constant 8 : i32
      %mul3A_304 = arith.muli %add3A_182, %mul3A_303 : i32
      %add3A_305 = arith.constant 7 : i32
      %add3A_306 = arith.addi %mul3A_304, %add3A_305 : i32
      %get3A_307 = arith.index_cast %add3A_306 : i32 to index
      %get3A_308 = tpu.vector_load %arg4[%get3A_307] {strides = array<i32>} : memref<416xf32, #tpu.memory_space<vmem>>, vector<16xf32>,
      %get3A_309 = vector.shape_cast %get3A_308 : vector<16xf32> to vector<16xf32>
      %slice3A_310 = vector.extract_strided_slice %get3A_309 {offsets = [0], sizes = [1], strides = [1]} : vector<16xf32> to vector<1xf32>
      %squeeze3A_311 = vector.extract %slice3A_310[0] : f32 from vector<1xf32>
      %broadcast_in_dim3A_312 = vector.broadcast %squeeze3A_311 : f32 to vector<16xf32>
      %scan3A_313 = arith.constant 0 : i32
      %scan3A_314 = arith.constant 0 : i32
      %scan3A_315 = arith.constant 32 : i32
      %scan3A_316 = arith.addi %scan3A_314, %scan3A_315 : i32
      %scan3A_317 = arith.constant 1 : i32
      scf.for %scan3A_332 = %scan3A_314 to %scan3A_316 step %scan3A_317  : i32 {
        %mul3A_333 = arith.constant 128 : i32
        %mul3A_334 = arith.muli %scan3A_332, %mul3A_333 : i32
        %add3A_335 = arith.constant 0 : i32
        %add3A_336 = arith.addi %mul3A_334, %add3A_335 : i32
        %swap3A = arith.constant 1 : i32
        %swap3A_337 = arith.constant 7 : i32
        %swap3A_338 = arith.index_cast %swap3A : i32 to index
        %swap3A_339 = arith.index_cast %swap3A_337 : i32 to index
        %swap3A_340 = arith.index_cast %add3A_336 : i32 to index
        %swap3A_341 = tpu.vector_load %arg5[%swap3A_338, %swap3A_339, %swap3A_340] {strides = array<i32>} : memref<2x8x4096xf32, #tpu.memory_space<vmem>>, vector<1x1x16xf32>,
        %swap3A_342 = vector.shape_cast %swap3A_341 : vector<1x1x16xf32> to vector<16xf32>
        %swap3A_343 = vector.shape_cast %broadcast_in_dim3A_312 : vector<16xf32> to vector<1x1x16xf32>
        tpu.vector_store %arg5[%swap3A_338, %swap3A_339, %swap3A_340], %swap3A_343 {strides = array<i32>} : memref<2x8x4096xf32, #tpu.memory_space<vmem>>, vector<1x1x16xf32>,
        %add3A_344 = arith.constant 16 : i32
        %add3A_345 = arith.addi %mul3A_334, %add3A_344 : i32
        %swap3A_346 = arith.constant 1 : i32
        %swap3A_347 = arith.constant 7 : i32
        %swap3A_348 = arith.index_cast %swap3A_346 : i32 to index
        %swap3A_349 = arith.index_cast %swap3A_347 : i32 to index
        %swap3A_350 = arith.index_cast %add3A_345 : i32 to index
        %swap3A_351 = tpu.vector_load %arg5[%swap3A_348, %swap3A_349, %swap3A_350] {strides = array<i32>} : memref<2x8x4096xf32, #tpu.memory_space<vmem>>, vector<1x1x16xf32>,
        %swap3A_352 = vector.shape_cast %swap3A_351 : vector<1x1x16xf32> to vector<16xf32>
        %swap3A_353 = vector.shape_cast %broadcast_in_dim3A_312 : vector<16xf32> to vector<1x1x16xf32>
        tpu.vector_store %arg5[%swap3A_348, %swap3A_349, %swap3A_350], %swap3A_353 {strides = array<i32>} : memref<2x8x4096xf32, #tpu.memory_space<vmem>>, vector<1x1x16xf32>,
        %add3A_354 = arith.constant 32 : i32
        %add3A_355 = arith.addi %mul3A_334, %add3A_354 : i32
        %swap3A_356 = arith.constant 1 : i32
        %swap3A_357 = arith.constant 7 : i32
        %swap3A_358 = arith.index_cast %swap3A_356 : i32 to index
        %swap3A_359 = arith.index_cast %swap3A_357 : i32 to index
        %swap3A_360 = arith.index_cast %add3A_355 : i32 to index
        %swap3A_361 = tpu.vector_load %arg5[%swap3A_358, %swap3A_359, %swap3A_360] {strides = array<i32>} : memref<2x8x4096xf32, #tpu.memory_space<vmem>>, vector<1x1x16xf32>,
        %swap3A_362 = vector.shape_cast %swap3A_361 : vector<1x1x16xf32> to vector<16xf32>
        %swap3A_363 = vector.shape_cast %broadcast_in_dim3A_312 : vector<16xf32> to vector<1x1x16xf32>
        tpu.vector_store %arg5[%swap3A_358, %swap3A_359, %swap3A_360], %swap3A_363 {strides = array<i32>} : memref<2x8x4096xf32, #tpu.memory_space<vmem>>, vector<1x1x16xf32>,
        %add3A_364 = arith.constant 48 : i32
        %add3A_365 = arith.addi %mul3A_334, %add3A_364 : i32
        %swap3A_366 = arith.constant 1 : i32
        %swap3A_367 = arith.constant 7 : i32
        %swap3A_368 = arith.index_cast %swap3A_366 : i32 to index
        %swap3A_369 = arith.index_cast %swap3A_367 : i32 to index
        %swap3A_370 = arith.index_cast %add3A_365 : i32 to index
        %swap3A_371 = tpu.vector_load %arg5[%swap3A_368, %swap3A_369, %swap3A_370] {strides = array<i32>} : memref<2x8x4096xf32, #tpu.memory_space<vmem>>, vector<1x1x16xf32>,
        %swap3A_372 = vector.shape_cast %swap3A_371 : vector<1x1x16xf32> to vector<16xf32>
        %swap3A_373 = vector.shape_cast %broadcast_in_dim3A_312 : vector<16xf32> to vector<1x1x16xf32>
        tpu.vector_store %arg5[%swap3A_368, %swap3A_369, %swap3A_370], %swap3A_373 {strides = array<i32>} : memref<2x8x4096xf32, #tpu.memory_space<vmem>>, vector<1x1x16xf32>,
        %add3A_374 = arith.constant 64 : i32
        %add3A_375 = arith.addi %mul3A_334, %add3A_374 : i32
        %swap3A_376 = arith.constant 1 : i32
        %swap3A_377 = arith.constant 7 : i32
        %swap3A_378 = arith.index_cast %swap3A_376 : i32 to index
        %swap3A_379 = arith.index_cast %swap3A_377 : i32 to index
        %swap3A_380 = arith.index_cast %add3A_375 : i32 to index
        %swap3A_381 = tpu.vector_load %arg5[%swap3A_378, %swap3A_379, %swap3A_380] {strides = array<i32>} : memref<2x8x4096xf32, #tpu.memory_space<vmem>>, vector<1x1x16xf32>,
        %swap3A_382 = vector.shape_cast %swap3A_381 : vector<1x1x16xf32> to vector<16xf32>
        %swap3A_383 = vector.shape_cast %broadcast_in_dim3A_312 : vector<16xf32> to vector<1x1x16xf32>
        tpu.vector_store %arg5[%swap3A_378, %swap3A_379, %swap3A_380], %swap3A_383 {strides = array<i32>} : memref<2x8x4096xf32, #tpu.memory_space<vmem>>, vector<1x1x16xf32>,
        %add3A_384 = arith.constant 80 : i32
        %add3A_385 = arith.addi %mul3A_334, %add3A_384 : i32
        %swap3A_386 = arith.constant 1 : i32
        %swap3A_387 = arith.constant 7 : i32
        %swap3A_388 = arith.index_cast %swap3A_386 : i32 to index
        %swap3A_389 = arith.index_cast %swap3A_387 : i32 to index
        %swap3A_390 = arith.index_cast %add3A_385 : i32 to index
        %swap3A_391 = tpu.vector_load %arg5[%swap3A_388, %swap3A_389, %swap3A_390] {strides = array<i32>} : memref<2x8x4096xf32, #tpu.memory_space<vmem>>, vector<1x1x16xf32>,
        %swap3A_392 = vector.shape_cast %swap3A_391 : vector<1x1x16xf32> to vector<16xf32>
        %swap3A_393 = vector.shape_cast %broadcast_in_dim3A_312 : vector<16xf32> to vector<1x1x16xf32>
        tpu.vector_store %arg5[%swap3A_388, %swap3A_389, %swap3A_390], %swap3A_393 {strides = array<i32>} : memref<2x8x4096xf32, #tpu.memory_space<vmem>>, vector<1x1x16xf32>,
        %add3A_394 = arith.constant 96 : i32
        %add3A_395 = arith.addi %mul3A_334, %add3A_394 : i32
        %swap3A_396 = arith.constant 1 : i32
        %swap3A_397 = arith.constant 7 : i32
        %swap3A_398 = arith.index_cast %swap3A_396 : i32 to index
        %swap3A_399 = arith.index_cast %swap3A_397 : i32 to index
        %swap3A_400 = arith.index_cast %add3A_395 : i32 to index
        %swap3A_401 = tpu.vector_load %arg5[%swap3A_398, %swap3A_399, %swap3A_400] {strides = array<i32>} : memref<2x8x4096xf32, #tpu.memory_space<vmem>>, vector<1x1x16xf32>,
        %swap3A_402 = vector.shape_cast %swap3A_401 : vector<1x1x16xf32> to vector<16xf32>
        %swap3A_403 = vector.shape_cast %broadcast_in_dim3A_312 : vector<16xf32> to vector<1x1x16xf32>
        tpu.vector_store %arg5[%swap3A_398, %swap3A_399, %swap3A_400], %swap3A_403 {strides = array<i32>} : memref<2x8x4096xf32, #tpu.memory_space<vmem>>, vector<1x1x16xf32>,
        %add3A_404 = arith.constant 112 : i32
        %add3A_405 = arith.addi %mul3A_334, %add3A_404 : i32
        %swap3A_406 = arith.constant 1 : i32
        %swap3A_407 = arith.constant 7 : i32
        %swap3A_408 = arith.index_cast %swap3A_406 : i32 to index
        %swap3A_409 = arith.index_cast %swap3A_407 : i32 to index
        %swap3A_410 = arith.index_cast %add3A_405 : i32 to index
        %swap3A_411 = tpu.vector_load %arg5[%swap3A_408, %swap3A_409, %swap3A_410] {strides = array<i32>} : memref<2x8x4096xf32, #tpu.memory_space<vmem>>, vector<1x1x16xf32>,
        %swap3A_412 = vector.shape_cast %swap3A_411 : vector<1x1x16xf32> to vector<16xf32>
        %swap3A_413 = vector.shape_cast %broadcast_in_dim3A_312 : vector<16xf32> to vector<1x1x16xf32>
        tpu.vector_store %arg5[%swap3A_408, %swap3A_409, %swap3A_410], %swap3A_413 {strides = array<i32>} : memref<2x8x4096xf32, #tpu.memory_space<vmem>>, vector<1x1x16xf32>,
      }
      %scan3A_318 = arith.constant 32 : i32
      %dma_start3A_319 = arith.constant 1 : i32
      %dma_start3A_320 = arith.constant 0 : i32
      %dma_start3A_321 = arith.constant 0 : i32
      %dma_start3A_322 = tpu.memref_slice %arg5[%dma_start3A_319, %dma_start3A_320, %dma_start3A_321] : memref<2x8x4096xf32, #tpu.memory_space<vmem>> -> memref<1x8x4096xf32, #tpu.memory_space<vmem>>
      %dma_start3A_323 = tpu.memref_squeeze %dma_start3A_322 : memref<1x8x4096xf32, #tpu.memory_space<vmem>> -> memref<8x4096xf32, #tpu.memory_space<vmem>>
      %dma_start3A_324 = arith.constant 0 : i32
      %dma_start3A_325 = tpu.memref_slice %arg3[%add3A_185, %dma_start3A_324] : memref<12800x4096xf32, #tpu.memory_space<hbm>> -> memref<8x4096xf32, #tpu.memory_space<hbm>>
      %dma_start3A_326 = arith.constant 0 : i32
      %dma_start3A_327 = tpu.memref_slice %arg3[%add3A_185, %dma_start3A_326] : memref<12800x4096xf32, #tpu.memory_space<hbm>> -> memref<8x4096xf32, #tpu.memory_space<hbm>>
      %dma_start3A_328 = arith.constant 0 : i32
      %dma_start3A_329 = arith.constant 0 : i32
      %dma_start3A_330 = tpu.memref_slice %arg5[%dma_start3A_319, %dma_start3A_328, %dma_start3A_329] : memref<2x8x4096xf32, #tpu.memory_space<vmem>> -> memref<1x8x4096xf32, #tpu.memory_space<vmem>>
      %dma_start3A_331 = tpu.memref_squeeze %dma_start3A_330 : memref<1x8x4096xf32, #tpu.memory_space<vmem>> -> memref<8x4096xf32, #tpu.memory_space<vmem>>
      tpu.enqueue_dma source(%dma_start3A_331 : memref<8x4096xf32, #tpu.memory_space<vmem>>) target(%dma_start3A_327 : memref<8x4096xf32, #tpu.memory_space<hbm>>) target_semaphore(%arg7 : memref<!tpu.dma_semaphore, #tpu.memory_space<semaphore_mem>>)
    }
    %scan3A_7 = arith.constant 25 : i32
    %dma_wait3A = arith.constant 0 : i32
    %dma_wait3A_8 = arith.constant 0 : i32
    %dma_wait3A_9 = arith.constant 0 : i32
    %dma_wait3A_10 = tpu.memref_slice %arg5[%dma_wait3A, %dma_wait3A_8, %dma_wait3A_9] : memref<2x8x4096xf32, #tpu.memory_space<vmem>> -> memref<1x8x4096xf32, #tpu.memory_space<vmem>>
    %dma_wait3A_11 = tpu.memref_squeeze %dma_wait3A_10 : memref<1x8x4096xf32, #tpu.memory_space<vmem>> -> memref<8x4096xf32, #tpu.memory_space<vmem>>
    %dma_wait3A_12 = arith.constant 0 : i32
    %dma_wait3A_13 = tpu.memref_slice %arg3[%mul3A_2, %dma_wait3A_12] : memref<12800x4096xf32, #tpu.memory_space<hbm>> -> memref<8x4096xf32, #tpu.memory_space<hbm>>
    %dma_wait3A_14 = arith.constant 0 : i32
    %dma_wait3A_15 = tpu.memref_slice %arg3[%mul3A_2, %dma_wait3A_14] : memref<12800x4096xf32, #tpu.memory_space<hbm>> -> memref<8x4096xf32, #tpu.memory_space<hbm>>
    %dma_wait3A_16 = arith.constant 0 : i32
    %dma_wait3A_17 = arith.constant 0 : i32
    %dma_wait3A_18 = tpu.memref_slice %arg5[%dma_wait3A, %dma_wait3A_16, %dma_wait3A_17] : memref<2x8x4096xf32, #tpu.memory_space<vmem>> -> memref<1x8x4096xf32, #tpu.memory_space<vmem>>
    %dma_wait3A_19 = tpu.memref_squeeze %dma_wait3A_18 : memref<1x8x4096xf32, #tpu.memory_space<vmem>> -> memref<8x4096xf32, #tpu.memory_space<vmem>>
    tpu.wait_dma2 semaphore(%arg6 : memref<!tpu.dma_semaphore, #tpu.memory_space<semaphore_mem>>) src(%dma_wait3A_19 : memref<8x4096xf32, #tpu.memory_space<vmem>>) dst(%dma_wait3A_15 : memref<8x4096xf32, #tpu.memory_space<hbm>>)
    %dma_wait3A_20 = arith.constant 1 : i32
    %dma_wait3A_21 = arith.constant 0 : i32
    %dma_wait3A_22 = arith.constant 0 : i32
    %dma_wait3A_23 = tpu.memref_slice %arg5[%dma_wait3A_20, %dma_wait3A_21, %dma_wait3A_22] : memref<2x8x4096xf32, #tpu.memory_space<vmem>> -> memref<1x8x4096xf32, #tpu.memory_space<vmem>>
    %dma_wait3A_24 = tpu.memref_squeeze %dma_wait3A_23 : memref<1x8x4096xf32, #tpu.memory_space<vmem>> -> memref<8x4096xf32, #tpu.memory_space<vmem>>
    %dma_wait3A_25 = arith.constant 0 : i32
    %dma_wait3A_26 = tpu.memref_slice %arg3[%mul3A_2, %dma_wait3A_25] : memref<12800x4096xf32, #tpu.memory_space<hbm>> -> memref<8x4096xf32, #tpu.memory_space<hbm>>
    %dma_wait3A_27 = arith.constant 0 : i32
    %dma_wait3A_28 = tpu.memref_slice %arg3[%mul3A_2, %dma_wait3A_27] : memref<12800x4096xf32, #tpu.memory_space<hbm>> -> memref<8x4096xf32, #tpu.memory_space<hbm>>
    %dma_wait3A_29 = arith.constant 0 : i32
    %dma_wait3A_30 = arith.constant 0 : i32
    %dma_wait3A_31 = tpu.memref_slice %arg5[%dma_wait3A_20, %dma_wait3A_29, %dma_wait3A_30] : memref<2x8x4096xf32, #tpu.memory_space<vmem>> -> memref<1x8x4096xf32, #tpu.memory_space<vmem>>
    %dma_wait3A_32 = tpu.memref_squeeze %dma_wait3A_31 : memref<1x8x4096xf32, #tpu.memory_space<vmem>> -> memref<8x4096xf32, #tpu.memory_space<vmem>>
    tpu.wait_dma2 semaphore(%arg7 : memref<!tpu.dma_semaphore, #tpu.memory_space<semaphore_mem>>) src(%dma_wait3A_32 : memref<8x4096xf32, #tpu.memory_space<vmem>>) dst(%dma_wait3A_28 : memref<8x4096xf32, #tpu.memory_space<hbm>>)
    return
  }
}

</mosaic_0001>

<sc_bundles>
// kernel: kernel.3.cloned.1.call-start
scs
__scs_entry_jumppad:
0x0: {  	(pc) =	sbr.rel $0x88, $3  }
0x1: {  	(tag) =	ssettag $0x0;
	lr =	simm.s32 $0x1  }
0x2: {  	[smem:$0x3FA0] =	sst lr;
	_ =	strace $0xD0000000  }
0x3: {  	_ = 	snop  }
0x4: {  	_ = 	snop  }
0x5: {  	_ = 	snop  }
0x6: {  	_ = 	snop  }
0x7: {  	_ = 	snop  }
__scs_overlays_trampoline_lowered:
0x8: {  	[smem:$0x3FAF] =	sst s0  }
0x9: {  	[smem:$0x3FB0] =	sst s1  }
0xa: {  	[smem:$0x3FB1] =	sst s2  }
0xb: {  	[smem:$0x3FB2] =	sst s3  }
0xc: {  	[smem:$0x3FB3] =	sst s4  }
0xd: {  	[smem:$0x3FB4] =	sst s5  }
0xe: {  	[smem:$0x3FB5] =	sst s6  }
0xf: {  	[smem:$0x3FB6] =	sst s7  }
0x10: {  	[smem:$0x3FB7] =	sst s8  }
0x11: {  	[smem:$0x3FB8] =	sst s9;
	s0 =	simm.s32 @!p0 $0x0  }
0x12: {  	s1 =	sld [smem:$0x3F9E];
	s0 =	simm.s32 @p0 $0x1  }
0x13: {  	[smem:$0x3FB9] =	sst s0;
	s0 =	simm.s32 @!p1 $0x0  }
0x14: {  	s2 =	sld [smem:$0x3F9D];
	s0 =	simm.s32 @p1 $0x1  }
0x15: {  	[smem:$0x3FBA] =	sst s0;
	s0 =	simm.s32 @!p2 $0x0  }
0x16: {  	s3 =	sld [smem:$0x3FDB];
	s0 =	simm.s32 @p2 $0x1  }
0x17: {  	s4 =	simm.s32 $0x1BF5;
	[smem:$0x3FBC] =	sst s0  }
0x18: {  	s0 =	sld [smem:$0x3F9F];
	_ =	swait.ge [sflag:s4], $0x0  }
0x19: {  	s7 =	sld [smem:$0x3FA0]  }
0x1a: {  	s8 =	sadd.s32 $0xFFFFE003, lr  }
0x1b: {  	s9 =	sadd.s32 $0xFFFFFEF7, lr;
	s5 =	simm.s32 $0xFFFFFFFF;
	p2 =	slt.u32 s8, $0xFFFFF086  }
0x1c: {  	p1 =	slt.u32 s9, $0xF7A;
	s5 =	simm.s32 @!p2 $0x0  }
0x1d: {  	s5 =	simm.s32 @p1 $0x1;
	p0 =	seq.s32 s7, s2  }
0x1e: {  	s7 =	smul.u32 @!p0 $0xF7A, s2;
	p2 =	seq.s32 @!p0 s5, $0x0  }
0x1f: {  	s9 =	smul.u32 $0xF7A, s1;
	s8 =	simm.s32 @!p0 $0x1BF5;
	p2 =	por !p2, p0  }
0x20: {  	[sflag:s8] =	ssyncset.s32 @!p0 $0xFFFFF086;
	s6 =	sadd.s32 @!p0 s3, s7;
	s7 =	simm.s32 @!p0 $0x108  }
0x21: {  	s3 =	sadd.s32 s3, s9;
	s6 =	sadd.s32 @!p0 $0x88, s6;
	s7 =	simm.s32 @p2 $0x1082  }
0x22: {  	[simem:s7], [sflag:s8] =	dma.local @!p0 [hbm:s6], $0xF7A  }
0x23: {  	s9 =	sor.u32 $0xD0000000, s2;
	s6 =	simm.s32 $0x108;
	_ =	swait.ge @!p0 [sflag:s8], $0x0  }
0x24: {  	s3 =	sadd.s32 $0x88, s3;
	s6 =	simm.s32 @!p1 $0x1082;
	[sflag:s4] =	ssyncset.s32 $0xFFFFF086  }
0x25: {  	[simem:s6], [sflag:s4] =	dma.local [hbm:s3], $0xF7A  }
0x26: {  	[smem:$0x3FA0] =	sst s1;
	(tag) =	ssettag s2;
	_ =	strace s9  }
0x27: {  	s1 =	sld [smem:$0x3FB0]  }
0x28: {  	s2 =	sld [smem:$0x3FB1]  }
0x29: {  	s4 =	sld [smem:$0x3FB3]  }
0x2a: {  	p0 =	seq.s32 s5, $0x0;
	s5 =	sld [smem:$0x3FB4]  }
0x2b: {  	s6 =	sld [smem:$0x3FB5]  }
0x2c: {  	s7 =	sld [smem:$0x3FB6]  }
0x2d: {  	s3 =	simm.s32 $0x108;
	s8 =	sld [smem:$0x3FB7]  }
0x2e: {  	s3 =	simm.s32 @!p0 $0x1082;
	s9 =	sld [smem:$0x3FB8]  }
0x2f: {  	lr =	sadd.s32 s0, s3;
	s0 =	sld [smem:$0x3FAF]  }
0x30: {  	s3 =	sld [smem:$0x3FB2]  }
0x31: {  	[smem:$0x3FBB] =	sst s10  }
0x32: {  	s10 =	sld [smem:$0x3FB9];
	_ =	sdelay $0x3  }
0x33: {  	p0 =	seq.s32 s10, $0x1;
	s10 =	sld [smem:$0x3FBB];
	_ =	sdelay $0x3  }
0x34: {  	[smem:$0x3FBB] =	sst s10  }
0x35: {  	s10 =	sld [smem:$0x3FBA];
	_ =	sdelay $0x3  }
0x36: {  	p1 =	seq.s32 s10, $0x1;
	s10 =	sld [smem:$0x3FBB];
	_ =	sdelay $0x3  }
0x37: {  	[smem:$0x3FBB] =	sst s10  }
0x38: {  	s10 =	sld [smem:$0x3FBC]  }
0x39: {  	_ = 	snop;
	(pc) =	sbr.ind lr, $3  }
0x3a: {  	_ = 	snop  }
0x3b: {  	_ = 	snop  }
0x3c: {  	p2 =	seq.s32 s10, $0x1;
	s10 =	sld [smem:$0x3FBB]  }
0x3d: {  	_ =	shalt  }
0x3e: {  	_ =	shalt  }
0x3f: {  	_ =	shalt  }
0x40: {  	_ =	shalt  }
0x41: {  	_ =	shalt  }
0x42: {  	_ =	shalt  }
0x43: {  	_ =	shalt  }
0x44: {  	_ =	shalt  }
0x45: {  	_ =	shalt  }
0x46: {  	_ =	shalt  }
0x47: {  	_ =	shalt  }
0x48: {  	_ =	shalt  }
0x49: {  	_ =	shalt  }
0x4a: {  	_ =	shalt  }
0x4b: {  	_ =	shalt  }
0x4c: {  	_ =	shalt  }
0x4d: {  	_ =	shalt  }
0x4e: {  	_ =	shalt  }
0x4f: {  	_ =	shalt  }
0x50: {  	_ =	shalt  }
0x51: {  	_ =	shalt  }
0x52: {  	_ =	shalt  }
0x53: {  	_ =	shalt  }
0x54: {  	_ =	shalt  }
0x55: {  	_ =	shalt  }
0x56: {  	_ =	shalt  }
0x57: {  	_ =	shalt  }
0x58: {  	_ =	shalt  }
0x59: {  	_ =	shalt  }
0x5a: {  	_ =	shalt  }
0x5b: {  	_ =	shalt  }
0x5c: {  	_ =	shalt  }
0x5d: {  	_ =	shalt  }
0x5e: {  	_ =	shalt  }
0x5f: {  	_ =	shalt  }
0x60: {  	_ =	shalt  }
0x61: {  	_ =	shalt  }
0x62: {  	_ =	shalt  }
0x63: {  	_ =	shalt  }
0x64: {  	_ =	shalt  }
0x65: {  	_ =	shalt  }
0x66: {  	_ =	shalt  }
0x67: {  	_ =	shalt  }
0x68: {  	_ =	shalt  }
0x69: {  	_ =	shalt  }
0x6a: {  	_ =	shalt  }
0x6b: {  	_ =	shalt  }
0x6c: {  	_ =	shalt  }
0x6d: {  	_ =	shalt  }
0x6e: {  	_ =	shalt  }
0x6f: {  	_ =	shalt  }
0x70: {  	_ =	shalt  }
0x71: {  	_ =	shalt  }
0x72: {  	_ =	shalt  }
0x73: {  	_ =	shalt  }
0x74: {  	_ =	shalt  }
0x75: {  	_ =	shalt  }
0x76: {  	_ =	shalt  }
0x77: {  	_ =	shalt  }
0x78: {  	_ =	shalt  }
0x79: {  	_ =	shalt  }
0x7a: {  	_ =	shalt  }
0x7b: {  	_ =	shalt  }
0x7c: {  	_ =	shalt  }
0x7d: {  	_ =	shalt  }
0x7e: {  	_ =	shalt  }
0x7f: {  	_ =	shalt  }
0x80: {  	_ =	shalt  }
0x81: {  	_ =	shalt  }
0x82: {  	_ =	shalt  }
0x83: {  	_ =	shalt  }
0x84: {  	_ =	shalt  }
0x85: {  	_ =	shalt  }
0x86: {  	_ =	shalt  }
0x87: {  	_ =	shalt  }
.Lfunc_end0:
.L_simem_size_0:
called_computation_lowered:
.L_overlay_start_0:
0x88: {  	s2 =	sld [smem:$0x3FD9]  }
0x89: {  	s3 =	sld [smem:$0x3FFE];
	_ =	sdelay $0x1  }
0x8a: {  	s1 =	srdreg.scid  }
0x8b: {  	s0 =	sand.u32 $0x1, s1  }
0x8c: {  	s17 =	sshll.u32 s0, $0xA;
	s2 =	sadd.s32 s3, s2  }
0x8d: {  	s2 =	sadd.s32 s2, s17  }
0x8e: {  	[smem:$0x3FC7] =	sst s2  }
0x8f: {  	_ = 	snop  }
0x90: {  	s2 =	sld [smem:$0x3FD0];
	(tm) =	ssettm $0x1  }
0x91: {  	s18 =	sld [smem:$0x3FFB];
	_ =	sdelay $0x3  }
0x92: {  	_ =	strace s18  }
0x93: {  	s3 =	sld [smem:$0x3FFC];
	_ =	sdelay $0x3  }
0x94: {  	_ =	strace s3  }
0x95: {  	s3 =	sld [smem:$0x3FFD];
	_ =	sdelay $0x3  }
0x96: {  	_ =	strace s3  }
0x97: {  	_ =	strace $0x8FFFFFFF  }
0x98: {  	s19 =	sld [smem:$0x3FDB];
	_ =	sdelay $0x1  }
0x99: {  	s4 =	simm.s32 $_scs_section_size  }
0x9a: {  	s5 =	simm.s32 $_size__tile_overlayer_lowered;
	s6 =	simm.s32 $_tile_overlayer_lowered  }
0x9b: {  	s22 =	simm.s32 $0x1BFF;
	s21 =	sshll.u32 s6, $0x1;
	s3 =	sadd.s32 s4, s19  }
0x9c: {  	s7 =	simm.s32 $0x0;
	s20 =	sshll.u32 s5, $0x1;
	s5 =	sadd.s32 s21, s3  }
0x9d: {  	[timem:s7], [sflag:s22] =	dma.local [hbm:s5], s20  }
0x9e: {  	_ =	swait.ge [sflag:s22], s20  }
0x9f: {  	s4 =	ssub.s32 $0x0, s20;
	[sflag:s22] =	ssyncset.done $0x0  }
0xa0: {  	[sflag:s22] =	ssyncadd.s32 s4;
	_ =	sdelay $0x1  }
0xa1: {  	s23 =	simm.s32 $0x1B8B  }
0xa2: {  	_ =	swait.ge [sflag:s23], $0x1  }
0xa3: {  	[sflag:s23] =	ssyncset.done $0x0  }
0xa4: {  	s25 =	simm.s32 $0x1B8E;
	s24 =	sld [smem:$0x3FFE];
	[sflag:s23] =	ssyncadd.s32 $0xFFFFFFFF  }
0xa5: {  	s26 =	simm.s32 $execute0_lowered;
	[smem:$0x3FD2] =	sst s25  }
0xa6: {  	s5 =	sshll.u32 s26, $0x1;
	_ =	strace $0x80000046;
	[dreg:$0x1] =	wrdreg $0xFFFFFFFF  }
0xa7: {  	s28 =	simm.s32 $_size_execute0_lowered;
	s3 =	sadd.s32 s3, s5;
	[dreg:$0x0] =	wrdreg $0x0  }
0xa8: {  	s5 =	sshll.u32 s28, $0x1;
	[dreg:$0x2] =	wrdreg s3  }
0xa9: {  	[dreg:$0x3] =	wrdreg s5  }
0xaa: {  	[dreg:$0x4] =	wrdreg $0xC0  }
0xab: {  	_ =	task [dreg:s7], $0x5FFFF  }
0xac: {  	[dreg:$0x1] =	wrdreg $0xFFFFFFFF  }
0xad: {  	[dreg:$0x0] =	wrdreg $0x60  }
0xae: {  	[dreg:$0x2] =	wrdreg s24  }
0xaf: {  	[dreg:$0x3] =	wrdreg s2  }
0xb0: {  	[dreg:$0x4] =	wrdreg $0x9  }
0xb1: {  	_ =	task.clear_ibuf [dreg:s7], $0x5FFFF;
	_ =	strace $0x90000046  }
0xb2: {  	s29 =	simm.s32 $0x9;
	_ =	strace $0x80000048  }
0xb3: {  	_ =	swait.ge [sflag:s29], $0x1  }
0xb4: {  	[sflag:s29] =	ssyncadd.s32 $0xFFFFFFFF  }
0xb5: {  	_ =	strace $0x90000048  }
0xb6: {  	_ =	sfence  }
0xb7: {  	s30 =	sld [smem:$0x0];
	_ =	sdelay $0x2  }
0xb8: {  	s31 =	sshll.u32 s1, $0xD;
	s1 =	sshrl.u32 s1, $0x2  }
0xb9: {  	s3 =	sand.u32 $0x4000, s31;
	s1 =	sadd.s32 s1, s30  }
0xba: {  	s0 =	sor.u32 s3, s0;
	s1 =	sshll.u32 s1, $0x11  }
0xbb: {  	s0 =	sor.u32 s1, s0  }
0xbc: {  	s0 =	sadd.s32 $0x8F2B, s0  }
0xbd: {  	[sflag:s0] =	ssyncadd.remote.s32 $0x1  }
0xbe: {  	_ =	sfence.sel $0xFFFF  }
0xbf: {  	[dreg:$0x0] =	wrdreg $0xFFFFFFFF;
	(pc) =	sbr.abs _section_cstart, $3  }
0xc0: {  	[dreg:$0x1] =	wrdreg $0xFFFFFFFF  }
0xc1: {  	_ =	task.clear_ibuf [dreg:s7], $0x2FFFF;
	_ =	strace $0x9FFFFFFF  }
0xc2: {  	(tm) =	ssettm $0x7FFFFFFF  }
0xc3: {  	_ =	shalt  }
tec
execute0_lowered:
.L_overlay_start_1:
0x0: {  	(tag) =	ssettag $0x1  }
0x1: {  	s1 =	srdreg.scid;
	s5 =	rddreg [dreg:$0x0]  }
0x2: {  	s0 =	stileid.u32;
	s2 =	rddreg [dreg:$0x1]  }
0x3: {  	s9 =	simm.s32 $0x8200;
	s4 =	sand.u32 $0x1, s1;
	s31 =	sshll.u32 s0, $0x1  }
0x4: {  	s10 =	simm.s32 $0x1;
	s11 =	simm.s32 $0x2;
	s1 =	sor.u32 s4, s31  }
0x5: {  	s12 =	simm.s32 $0x0;
	s6 =	ssub.s32 $0x2, s4;
	s3 =	smul.u32 $0x190, s1  }
0x6: {  	s4 =	simm.s32 $0x0;
	s1 =	rddreg [dreg:$0x2];
	s8 =	sshrl.u32 s6, $0x1  }
0x7: {  	[smem:$0x7FF] =	sst s4;
	s6 =	ssub.s32 s6, s8;
	s7 =	sshrl.u32 s3, $0x3  }
0x8: {  	_ =	strace $0x80000047;
	s8 =	simm.s32 $0x200;
	s5 =	sadd.s32 s7, s5  }
0x9: {  	s6 =	smax.u32 s6, $0x1;
	s7 =	simm.s32 $0x3;
	s5 =	sadd.s32 $0x400, s5  }
.LBB2_1:
0xa: {  	[tilespmem:s4], [sflag:$0x3] =	stream.linear.gather [hbm4b:s5+s4], $0x190, $0x38;
	[tilespmem:$0x10200] =	vst v63  }
0xb: {  	_ =	swait.ge [sflag:s7], $0x190  }
0xc: {  	[sflag:s7] =	ssyncset.done $0x0  }
0xd: {  	s13 =	simm.s32 $0x0;
	[sflag:s7] =	ssyncadd.s32 $0xFFFFFE70  }
.LBB2_2:
0xe: {  	p0 =	seq.s32 s13, $0x0  }
0xf: {  	s15 =	simm.s32 @!p0 $0x1  }
0x10: {  	_ =	swait.ge @!p0 [sflag:s15], $0x8000  }
0x11: {  	[sflag:s15] =	ssyncset.done @!p0 $0x0  }
0x12: {  	s14 =	sshll.u32 s13, $0x4;
	[sflag:s15] =	ssyncadd.s32 @!p0 $0xFFFF8000  }
0x13: {  	v0 =	vld.msk [tilespmem:s14+$0x0 ss:$0x0], $0xffff;
	_ =	sdelay $0x3  }
0x14: {  	s16 =	simm.s32 $0x0;
	s17 =	simm.s32 $0x1000;
	s15 =	sadd.s32 s3, s14  }
.LBB2_3:
0x15: {  	p1 =	sne.s32 s17, $0x1F000;
	[tilespmem:s16+$0x270] =	vst v0  }
0x16: {  	[tilespmem:s16+$0x200] =	vst v0  }
0x17: {  	[tilespmem:s16+$0x210] =	vst v0  }
.Ltmp0:
0x18: {  	[tilespmem:s16+$0x220] =	vst v0;
	(pc) =	sbr.rel @p1 .LBB2_3-.Ltmp0, $4  }
0x19: {  	[tilespmem:s16+$0x230] =	vst v0  }
0x1a: {  	[tilespmem:s16+$0x240] =	vst v0  }
0x1b: {  	[tilespmem:s16+$0x250] =	vst v0  }
0x1c: {  	[tilespmem:s16+$0x260] =	vst v0;
	s16 =	sshra.s32 s17, $0x2;
	s17 =	sadd.s32 $0x1000, s17  }
0x1d: {  	[tilespmem:s16+$0x270] =	vst v0  }
0x1e: {  	[tilespmem:s16+$0x200] =	vst v0  }
0x1f: {  	[tilespmem:s16+$0x210] =	vst v0  }
0x20: {  	[tilespmem:s16+$0x220] =	vst v0  }
0x21: {  	[tilespmem:s16+$0x230] =	vst v0  }
0x22: {  	[tilespmem:s16+$0x240] =	vst v0  }
0x23: {  	[tilespmem:s16+$0x250] =	vst v0  }
0x24: {  	[tilespmem:s16+$0x260] =	vst v0  }
0x25: {  	v0 =	vld.msk [tilespmem:s14+$0x1 ss:$0x0], $0xffff;
	_ =	sdelay $0x3  }
0x26: {  	s16 =	simm.s32 $0x0;
	s17 =	simm.s32 $0x1000  }
.LBB2_5:
0x27: {  	p1 =	sne.s32 s17, $0x1F000;
	[tilespmem:s16+$0x2F0] =	vst v0  }
0x28: {  	[tilespmem:s16+$0x280] =	vst v0  }
0x29: {  	[tilespmem:s16+$0x290] =	vst v0  }
.Ltmp1:
0x2a: {  	[tilespmem:s16+$0x2A0] =	vst v0;
	(pc) =	sbr.rel @p1 .LBB2_5-.Ltmp1, $4  }
0x2b: {  	[tilespmem:s16+$0x2B0] =	vst v0  }
0x2c: {  	[tilespmem:s16+$0x2C0] =	vst v0  }
0x2d: {  	[tilespmem:s16+$0x2D0] =	vst v0  }
0x2e: {  	[tilespmem:s16+$0x2E0] =	vst v0;
	s16 =	sshra.s32 s17, $0x2;
	s17 =	sadd.s32 $0x1000, s17  }
0x2f: {  	[tilespmem:s16+$0x2F0] =	vst v0  }
0x30: {  	[tilespmem:s16+$0x280] =	vst v0  }
0x31: {  	[tilespmem:s16+$0x290] =	vst v0  }
0x32: {  	[tilespmem:s16+$0x2A0] =	vst v0  }
0x33: {  	[tilespmem:s16+$0x2B0] =	vst v0  }
0x34: {  	[tilespmem:s16+$0x2C0] =	vst v0  }
0x35: {  	[tilespmem:s16+$0x2D0] =	vst v0  }
0x36: {  	[tilespmem:s16+$0x2E0] =	vst v0  }
0x37: {  	v0 =	vld.msk [tilespmem:s14+$0x2 ss:$0x0], $0xffff;
	_ =	sdelay $0x3  }
0x38: {  	s16 =	simm.s32 $0x0;
	s17 =	simm.s32 $0x1000  }
.LBB2_7:
0x39: {  	p1 =	sne.s32 s17, $0x1F000;
	[tilespmem:s16+$0x370] =	vst v0  }
0x3a: {  	[tilespmem:s16+$0x300] =	vst v0  }
0x3b: {  	[tilespmem:s16+$0x310] =	vst v0  }
.Ltmp2:
0x3c: {  	[tilespmem:s16+$0x320] =	vst v0;
	(pc) =	sbr.rel @p1 .LBB2_7-.Ltmp2, $4  }
0x3d: {  	[tilespmem:s16+$0x330] =	vst v0  }
0x3e: {  	[tilespmem:s16+$0x340] =	vst v0  }
0x3f: {  	[tilespmem:s16+$0x350] =	vst v0  }
0x40: {  	[tilespmem:s16+$0x360] =	vst v0;
	s16 =	sshra.s32 s17, $0x2;
	s17 =	sadd.s32 $0x1000, s17  }
0x41: {  	[tilespmem:s16+$0x370] =	vst v0  }
0x42: {  	[tilespmem:s16+$0x300] =	vst v0  }
0x43: {  	[tilespmem:s16+$0x310] =	vst v0  }
0x44: {  	[tilespmem:s16+$0x320] =	vst v0  }
0x45: {  	[tilespmem:s16+$0x330] =	vst v0  }
0x46: {  	[tilespmem:s16+$0x340] =	vst v0  }
0x47: {  	[tilespmem:s16+$0x350] =	vst v0  }
0x48: {  	[tilespmem:s16+$0x360] =	vst v0  }
0x49: {  	v0 =	vld.msk [tilespmem:s14+$0x3 ss:$0x0], $0xffff;
	_ =	sdelay $0x3  }
0x4a: {  	s16 =	simm.s32 $0x0;
	s17 =	simm.s32 $0x1000  }
.LBB2_9:
0x4b: {  	p1 =	sne.s32 s17, $0x1F000;
	[tilespmem:s16+$0x3F0] =	vst v0  }
0x4c: {  	[tilespmem:s16+$0x380] =	vst v0  }
0x4d: {  	[tilespmem:s16+$0x390] =	vst v0  }
.Ltmp3:
0x4e: {  	[tilespmem:s16+$0x3A0] =	vst v0;
	(pc) =	sbr.rel @p1 .LBB2_9-.Ltmp3, $4  }
0x4f: {  	[tilespmem:s16+$0x3B0] =	vst v0  }
0x50: {  	[tilespmem:s16+$0x3C0] =	vst v0  }
0x51: {  	[tilespmem:s16+$0x3D0] =	vst v0  }
0x52: {  	[tilespmem:s16+$0x3E0] =	vst v0;
	s16 =	sshra.s32 s17, $0x2;
	s17 =	sadd.s32 $0x1000, s17  }
0x53: {  	[tilespmem:s16+$0x3F0] =	vst v0  }
0x54: {  	[tilespmem:s16+$0x380] =	vst v0  }
0x55: {  	[tilespmem:s16+$0x390] =	vst v0  }
0x56: {  	[tilespmem:s16+$0x3A0] =	vst v0  }
0x57: {  	[tilespmem:s16+$0x3B0] =	vst v0  }
0x58: {  	[tilespmem:s16+$0x3C0] =	vst v0  }
0x59: {  	[tilespmem:s16+$0x3D0] =	vst v0  }
0x5a: {  	[tilespmem:s16+$0x3E0] =	vst v0  }
0x5b: {  	v0 =	vld.msk [tilespmem:s14+$0x4 ss:$0x0], $0xffff;
	_ =	sdelay $0x3  }
0x5c: {  	s16 =	simm.s32 $0x0;
	s17 =	simm.s32 $0x1000  }
.LBB2_11:
0x5d: {  	p1 =	sne.s32 s17, $0x1F000;
	[tilespmem:s16+$0x470] =	vst v0  }
0x5e: {  	[tilespmem:s16+$0x400] =	vst v0  }
0x5f: {  	[tilespmem:s16+$0x410] =	vst v0  }
.Ltmp4:
0x60: {  	[tilespmem:s16+$0x420] =	vst v0;
	(pc) =	sbr.rel @p1 .LBB2_11-.Ltmp4, $4  }
0x61: {  	[tilespmem:s16+$0x430] =	vst v0  }
0x62: {  	[tilespmem:s16+$0x440] =	vst v0  }
0x63: {  	[tilespmem:s16+$0x450] =	vst v0  }
0x64: {  	[tilespmem:s16+$0x460] =	vst v0;
	s16 =	sshra.s32 s17, $0x2;
	s17 =	sadd.s32 $0x1000, s17  }
0x65: {  	[tilespmem:s16+$0x470] =	vst v0  }
0x66: {  	[tilespmem:s16+$0x400] =	vst v0  }
0x67: {  	[tilespmem:s16+$0x410] =	vst v0  }
0x68: {  	[tilespmem:s16+$0x420] =	vst v0  }
0x69: {  	[tilespmem:s16+$0x430] =	vst v0  }
0x6a: {  	[tilespmem:s16+$0x440] =	vst v0  }
0x6b: {  	[tilespmem:s16+$0x450] =	vst v0  }
0x6c: {  	[tilespmem:s16+$0x460] =	vst v0  }
0x6d: {  	v0 =	vld.msk [tilespmem:s14+$0x5 ss:$0x0], $0xffff;
	_ =	sdelay $0x3  }
0x6e: {  	s16 =	simm.s32 $0x0;
	s17 =	simm.s32 $0x1000  }
.LBB2_13:
0x6f: {  	p1 =	sne.s32 s17, $0x1F000;
	[tilespmem:s16+$0x4F0] =	vst v0  }
0x70: {  	[tilespmem:s16+$0x480] =	vst v0  }
0x71: {  	[tilespmem:s16+$0x490] =	vst v0  }
.Ltmp5:
0x72: {  	[tilespmem:s16+$0x4A0] =	vst v0;
	(pc) =	sbr.rel @p1 .LBB2_13-.Ltmp5, $4  }
0x73: {  	[tilespmem:s16+$0x4B0] =	vst v0  }
0x74: {  	[tilespmem:s16+$0x4C0] =	vst v0  }
0x75: {  	[tilespmem:s16+$0x4D0] =	vst v0  }
0x76: {  	[tilespmem:s16+$0x4E0] =	vst v0;
	s16 =	sshra.s32 s17, $0x2;
	s17 =	sadd.s32 $0x1000, s17  }
0x77: {  	[tilespmem:s16+$0x4F0] =	vst v0  }
0x78: {  	[tilespmem:s16+$0x480] =	vst v0  }
0x79: {  	[tilespmem:s16+$0x490] =	vst v0  }
0x7a: {  	[tilespmem:s16+$0x4A0] =	vst v0  }
0x7b: {  	[tilespmem:s16+$0x4B0] =	vst v0  }
0x7c: {  	[tilespmem:s16+$0x4C0] =	vst v0  }
0x7d: {  	[tilespmem:s16+$0x4D0] =	vst v0  }
0x7e: {  	[tilespmem:s16+$0x4E0] =	vst v0  }
0x7f: {  	v0 =	vld.msk [tilespmem:s14+$0x6 ss:$0x0], $0xffff;
	_ =	sdelay $0x3  }
0x80: {  	s16 =	simm.s32 $0x0;
	s17 =	simm.s32 $0x1000  }
.LBB2_15:
0x81: {  	p1 =	sne.s32 s17, $0x1F000;
	[tilespmem:s16+$0x570] =	vst v0  }
0x82: {  	[tilespmem:s16+$0x500] =	vst v0  }
0x83: {  	[tilespmem:s16+$0x510] =	vst v0  }
.Ltmp6:
0x84: {  	[tilespmem:s16+$0x520] =	vst v0;
	(pc) =	sbr.rel @p1 .LBB2_15-.Ltmp6, $4  }
0x85: {  	[tilespmem:s16+$0x530] =	vst v0  }
0x86: {  	[tilespmem:s16+$0x540] =	vst v0  }
0x87: {  	[tilespmem:s16+$0x550] =	vst v0  }
0x88: {  	[tilespmem:s16+$0x560] =	vst v0;
	s16 =	sshra.s32 s17, $0x2;
	s17 =	sadd.s32 $0x1000, s17  }
0x89: {  	[tilespmem:s16+$0x570] =	vst v0  }
0x8a: {  	[tilespmem:s16+$0x500] =	vst v0  }
0x8b: {  	[tilespmem:s16+$0x510] =	vst v0  }
0x8c: {  	[tilespmem:s16+$0x520] =	vst v0  }
0x8d: {  	[tilespmem:s16+$0x530] =	vst v0  }
0x8e: {  	[tilespmem:s16+$0x540] =	vst v0  }
0x8f: {  	[tilespmem:s16+$0x550] =	vst v0  }
0x90: {  	[tilespmem:s16+$0x560] =	vst v0  }
0x91: {  	v0 =	vld.msk [tilespmem:s14+$0x7 ss:$0x0], $0xffff;
	_ =	sdelay $0x3  }
0x92: {  	s16 =	simm.s32 $0x0;
	s17 =	simm.s32 $0x1000  }
.LBB2_17:
0x93: {  	p1 =	sne.s32 s17, $0x1F000;
	[tilespmem:s16+$0x5F0] =	vst v0  }
0x94: {  	[tilespmem:s16+$0x580] =	vst v0  }
0x95: {  	[tilespmem:s16+$0x590] =	vst v0  }
.Ltmp7:
0x96: {  	[tilespmem:s16+$0x5A0] =	vst v0;
	(pc) =	sbr.rel @p1 .LBB2_17-.Ltmp7, $4  }
0x97: {  	[tilespmem:s16+$0x5B0] =	vst v0  }
0x98: {  	[tilespmem:s16+$0x5C0] =	vst v0  }
0x99: {  	[tilespmem:s16+$0x5D0] =	vst v0  }
0x9a: {  	[tilespmem:s16+$0x5E0] =	vst v0;
	s16 =	sshra.s32 s17, $0x2;
	s17 =	sadd.s32 $0x1000, s17  }
0x9b: {  	[tilespmem:s16+$0x5F0] =	vst v0  }
0x9c: {  	[tilespmem:s16+$0x580] =	vst v0  }
0x9d: {  	[tilespmem:s16+$0x590] =	vst v0  }
0x9e: {  	[tilespmem:s16+$0x5A0] =	vst v0  }
0x9f: {  	[tilespmem:s16+$0x5B0] =	vst v0  }
0xa0: {  	[tilespmem:s16+$0x5C0] =	vst v0  }
0xa1: {  	[tilespmem:s16+$0x5D0] =	vst v0;
	s15 =	sshll.u32 s15, $0x9  }
0xa2: {  	[tilespmem:s16+$0x5E0] =	vst v0;
	s15 =	sadd.s32 s2, s15  }
0xa3: {  	[hbm4b:s15+s4] =	stream.linear.scatter [tilespmem:s8], [sflag:$0x1], $0x8000, $0x38;
	[tilespmem:$0x10200] =	vst v63  }
0xa4: {  	s15 =	simm.s32 @!p0 $0x2  }
0xa5: {  	_ =	swait.ge @!p0 [sflag:s15], $0x8000  }
0xa6: {  	[sflag:s15] =	ssyncset.done @!p0 $0x0  }
0xa7: {  	s31 =	sor.u32 $0x8, s14;
	[sflag:s15] =	ssyncadd.s32 @!p0 $0xFFFF8000  }
0xa8: {  	v0 =	vld.msk [tilespmem:s31+$0x0 ss:$0x0], $0xffff;
	_ =	sdelay $0x3  }
0xa9: {  	s16 =	simm.s32 $0x0;
	s17 =	simm.s32 $0x1000;
	s15 =	sadd.s32 s3, s31  }
.LBB2_19:
0xaa: {  	p0 =	sne.s32 s17, $0x1F000;
	[tilespmem:s16+$0x8270] =	vst v0  }
0xab: {  	[tilespmem:s16+$0x8200] =	vst v0  }
0xac: {  	[tilespmem:s16+$0x8210] =	vst v0  }
.Ltmp8:
0xad: {  	[tilespmem:s16+$0x8220] =	vst v0;
	(pc) =	sbr.rel @p0 .LBB2_19-.Ltmp8, $4  }
0xae: {  	[tilespmem:s16+$0x8230] =	vst v0  }
0xaf: {  	[tilespmem:s16+$0x8240] =	vst v0  }
0xb0: {  	[tilespmem:s16+$0x8250] =	vst v0  }
0xb1: {  	[tilespmem:s16+$0x8260] =	vst v0;
	s16 =	sshra.s32 s17, $0x2;
	s17 =	sadd.s32 $0x1000, s17  }
0xb2: {  	[tilespmem:s16+$0x8270] =	vst v0  }
0xb3: {  	[tilespmem:s16+$0x8200] =	vst v0  }
0xb4: {  	[tilespmem:s16+$0x8210] =	vst v0  }
0xb5: {  	[tilespmem:s16+$0x8220] =	vst v0  }
0xb6: {  	[tilespmem:s16+$0x8230] =	vst v0  }
0xb7: {  	[tilespmem:s16+$0x8240] =	vst v0  }
0xb8: {  	[tilespmem:s16+$0x8250] =	vst v0  }
0xb9: {  	[tilespmem:s16+$0x8260] =	vst v0  }
0xba: {  	v0 =	vld.msk [tilespmem:s14+$0x9 ss:$0x0], $0xffff;
	_ =	sdelay $0x3  }
0xbb: {  	s16 =	simm.s32 $0x0;
	s17 =	simm.s32 $0x1000  }
.LBB2_21:
0xbc: {  	p0 =	sne.s32 s17, $0x1F000;
	[tilespmem:s16+$0x82F0] =	vst v0  }
0xbd: {  	[tilespmem:s16+$0x8280] =	vst v0  }
0xbe: {  	[tilespmem:s16+$0x8290] =	vst v0  }
.Ltmp9:
0xbf: {  	[tilespmem:s16+$0x82A0] =	vst v0;
	(pc) =	sbr.rel @p0 .LBB2_21-.Ltmp9, $4  }
0xc0: {  	[tilespmem:s16+$0x82B0] =	vst v0  }
0xc1: {  	[tilespmem:s16+$0x82C0] =	vst v0  }
0xc2: {  	[tilespmem:s16+$0x82D0] =	vst v0  }
0xc3: {  	[tilespmem:s16+$0x82E0] =	vst v0;
	s16 =	sshra.s32 s17, $0x2;
	s17 =	sadd.s32 $0x1000, s17  }
0xc4: {  	[tilespmem:s16+$0x82F0] =	vst v0  }
0xc5: {  	[tilespmem:s16+$0x8280] =	vst v0  }
0xc6: {  	[tilespmem:s16+$0x8290] =	vst v0  }
0xc7: {  	[tilespmem:s16+$0x82A0] =	vst v0  }
0xc8: {  	[tilespmem:s16+$0x82B0] =	vst v0  }
0xc9: {  	[tilespmem:s16+$0x82C0] =	vst v0  }
0xca: {  	[tilespmem:s16+$0x82D0] =	vst v0  }
0xcb: {  	[tilespmem:s16+$0x82E0] =	vst v0  }
0xcc: {  	v0 =	vld.msk [tilespmem:s14+$0xA ss:$0x0], $0xffff;
	_ =	sdelay $0x3  }
0xcd: {  	s16 =	simm.s32 $0x0;
	s17 =	simm.s32 $0x1000  }
.LBB2_23:
0xce: {  	p0 =	sne.s32 s17, $0x1F000;
	[tilespmem:s16+$0x8370] =	vst v0  }
0xcf: {  	[tilespmem:s16+$0x8300] =	vst v0  }
0xd0: {  	[tilespmem:s16+$0x8310] =	vst v0  }
.Ltmp10:
0xd1: {  	[tilespmem:s16+$0x8320] =	vst v0;
	(pc) =	sbr.rel @p0 .LBB2_23-.Ltmp10, $4  }
0xd2: {  	[tilespmem:s16+$0x8330] =	vst v0  }
0xd3: {  	[tilespmem:s16+$0x8340] =	vst v0  }
0xd4: {  	[tilespmem:s16+$0x8350] =	vst v0  }
0xd5: {  	[tilespmem:s16+$0x8360] =	vst v0;
	s16 =	sshra.s32 s17, $0x2;
	s17 =	sadd.s32 $0x1000, s17  }
0xd6: {  	[tilespmem:s16+$0x8370] =	vst v0  }
0xd7: {  	[tilespmem:s16+$0x8300] =	vst v0  }
0xd8: {  	[tilespmem:s16+$0x8310] =	vst v0  }
0xd9: {  	[tilespmem:s16+$0x8320] =	vst v0  }
0xda: {  	[tilespmem:s16+$0x8330] =	vst v0  }
0xdb: {  	[tilespmem:s16+$0x8340] =	vst v0  }
0xdc: {  	[tilespmem:s16+$0x8350] =	vst v0  }
0xdd: {  	[tilespmem:s16+$0x8360] =	vst v0  }
0xde: {  	v0 =	vld.msk [tilespmem:s14+$0xB ss:$0x0], $0xffff;
	_ =	sdelay $0x3  }
0xdf: {  	s16 =	simm.s32 $0x0;
	s17 =	simm.s32 $0x1000  }
.LBB2_25:
0xe0: {  	p0 =	sne.s32 s17, $0x1F000;
	[tilespmem:s16+$0x83F0] =	vst v0  }
0xe1: {  	[tilespmem:s16+$0x8380] =	vst v0  }
0xe2: {  	[tilespmem:s16+$0x8390] =	vst v0  }
.Ltmp11:
0xe3: {  	[tilespmem:s16+$0x83A0] =	vst v0;
	(pc) =	sbr.rel @p0 .LBB2_25-.Ltmp11, $4  }
0xe4: {  	[tilespmem:s16+$0x83B0] =	vst v0  }
0xe5: {  	[tilespmem:s16+$0x83C0] =	vst v0  }
0xe6: {  	[tilespmem:s16+$0x83D0] =	vst v0  }
0xe7: {  	[tilespmem:s16+$0x83E0] =	vst v0;
	s16 =	sshra.s32 s17, $0x2;
	s17 =	sadd.s32 $0x1000, s17  }
0xe8: {  	[tilespmem:s16+$0x83F0] =	vst v0  }
0xe9: {  	[tilespmem:s16+$0x8380] =	vst v0  }
0xea: {  	[tilespmem:s16+$0x8390] =	vst v0  }
0xeb: {  	[tilespmem:s16+$0x83A0] =	vst v0  }
0xec: {  	[tilespmem:s16+$0x83B0] =	vst v0  }
0xed: {  	[tilespmem:s16+$0x83C0] =	vst v0  }
0xee: {  	[tilespmem:s16+$0x83D0] =	vst v0  }
0xef: {  	[tilespmem:s16+$0x83E0] =	vst v0  }
0xf0: {  	v0 =	vld.msk [tilespmem:s14+$0xC ss:$0x0], $0xffff;
	_ =	sdelay $0x3  }
0xf1: {  	s16 =	simm.s32 $0x0;
	s17 =	simm.s32 $0x1000  }
.LBB2_27:
0xf2: {  	p0 =	sne.s32 s17, $0x1F000;
	[tilespmem:s16+$0x8470] =	vst v0  }
0xf3: {  	[tilespmem:s16+$0x8400] =	vst v0  }
0xf4: {  	[tilespmem:s16+$0x8410] =	vst v0  }
.Ltmp12:
0xf5: {  	[tilespmem:s16+$0x8420] =	vst v0;
	(pc) =	sbr.rel @p0 .LBB2_27-.Ltmp12, $4  }
0xf6: {  	[tilespmem:s16+$0x8430] =	vst v0  }
0xf7: {  	[tilespmem:s16+$0x8440] =	vst v0  }
0xf8: {  	[tilespmem:s16+$0x8450] =	vst v0  }
0xf9: {  	[tilespmem:s16+$0x8460] =	vst v0;
	s16 =	sshra.s32 s17, $0x2;
	s17 =	sadd.s32 $0x1000, s17  }
0xfa: {  	[tilespmem:s16+$0x8470] =	vst v0  }
0xfb: {  	[tilespmem:s16+$0x8400] =	vst v0  }
0xfc: {  	[tilespmem:s16+$0x8410] =	vst v0  }
0xfd: {  	[tilespmem:s16+$0x8420] =	vst v0  }
0xfe: {  	[tilespmem:s16+$0x8430] =	vst v0  }
0xff: {  	[tilespmem:s16+$0x8440] =	vst v0  }
0x100: {  	[tilespmem:s16+$0x8450] =	vst v0  }
0x101: {  	[tilespmem:s16+$0x8460] =	vst v0  }
0x102: {  	v0 =	vld.msk [tilespmem:s14+$0xD ss:$0x0], $0xffff;
	_ =	sdelay $0x3  }
0x103: {  	s16 =	simm.s32 $0x0;
	s17 =	simm.s32 $0x1000  }
.LBB2_29:
0x104: {  	p0 =	sne.s32 s17, $0x1F000;
	[tilespmem:s16+$0x84F0] =	vst v0  }
0x105: {  	[tilespmem:s16+$0x8480] =	vst v0  }
0x106: {  	[tilespmem:s16+$0x8490] =	vst v0  }
.Ltmp13:
0x107: {  	[tilespmem:s16+$0x84A0] =	vst v0;
	(pc) =	sbr.rel @p0 .LBB2_29-.Ltmp13, $4  }
0x108: {  	[tilespmem:s16+$0x84B0] =	vst v0  }
0x109: {  	[tilespmem:s16+$0x84C0] =	vst v0  }
0x10a: {  	[tilespmem:s16+$0x84D0] =	vst v0  }
0x10b: {  	[tilespmem:s16+$0x84E0] =	vst v0;
	s16 =	sshra.s32 s17, $0x2;
	s17 =	sadd.s32 $0x1000, s17  }
0x10c: {  	[tilespmem:s16+$0x84F0] =	vst v0  }
0x10d: {  	[tilespmem:s16+$0x8480] =	vst v0  }
0x10e: {  	[tilespmem:s16+$0x8490] =	vst v0  }
0x10f: {  	[tilespmem:s16+$0x84A0] =	vst v0  }
0x110: {  	[tilespmem:s16+$0x84B0] =	vst v0  }
0x111: {  	[tilespmem:s16+$0x84C0] =	vst v0  }
0x112: {  	[tilespmem:s16+$0x84D0] =	vst v0  }
0x113: {  	[tilespmem:s16+$0x84E0] =	vst v0  }
0x114: {  	v0 =	vld.msk [tilespmem:s14+$0xE ss:$0x0], $0xffff;
	_ =	sdelay $0x3  }
0x115: {  	s16 =	simm.s32 $0x0;
	s17 =	simm.s32 $0x1000  }
.LBB2_31:
0x116: {  	p0 =	sne.s32 s17, $0x1F000;
	[tilespmem:s16+$0x8570] =	vst v0  }
0x117: {  	[tilespmem:s16+$0x8500] =	vst v0  }
0x118: {  	[tilespmem:s16+$0x8510] =	vst v0  }
.Ltmp14:
0x119: {  	[tilespmem:s16+$0x8520] =	vst v0;
	(pc) =	sbr.rel @p0 .LBB2_31-.Ltmp14, $4  }
0x11a: {  	[tilespmem:s16+$0x8530] =	vst v0  }
0x11b: {  	[tilespmem:s16+$0x8540] =	vst v0  }
0x11c: {  	[tilespmem:s16+$0x8550] =	vst v0  }
0x11d: {  	[tilespmem:s16+$0x8560] =	vst v0;
	s16 =	sshra.s32 s17, $0x2;
	s17 =	sadd.s32 $0x1000, s17  }
0x11e: {  	[tilespmem:s16+$0x8570] =	vst v0  }
0x11f: {  	[tilespmem:s16+$0x8500] =	vst v0  }
0x120: {  	[tilespmem:s16+$0x8510] =	vst v0  }
0x121: {  	[tilespmem:s16+$0x8520] =	vst v0  }
0x122: {  	[tilespmem:s16+$0x8530] =	vst v0  }
0x123: {  	[tilespmem:s16+$0x8540] =	vst v0  }
0x124: {  	[tilespmem:s16+$0x8550] =	vst v0  }
0x125: {  	[tilespmem:s16+$0x8560] =	vst v0  }
0x126: {  	v0 =	vld.msk [tilespmem:s14+$0xF ss:$0x0], $0xffff;
	_ =	sdelay $0x3  }
0x127: {  	s16 =	simm.s32 $0x1000;
	s14 =	simm.s32 $0x0  }
.LBB2_33:
0x128: {  	p0 =	sne.s32 s16, $0x1F000;
	[tilespmem:s14+$0x85F0] =	vst v0  }
0x129: {  	[tilespmem:s14+$0x8580] =	vst v0  }
0x12a: {  	[tilespmem:s14+$0x8590] =	vst v0  }
.Ltmp15:
0x12b: {  	[tilespmem:s14+$0x85A0] =	vst v0;
	(pc) =	sbr.rel @p0 .LBB2_33-.Ltmp15, $4  }
0x12c: {  	[tilespmem:s14+$0x85B0] =	vst v0  }
0x12d: {  	[tilespmem:s14+$0x85C0] =	vst v0  }
0x12e: {  	[tilespmem:s14+$0x85D0] =	vst v0  }
0x12f: {  	[tilespmem:s14+$0x85E0] =	vst v0;
	s14 =	sshra.s32 s16, $0x2;
	s16 =	sadd.s32 $0x1000, s16  }
0x130: {  	[tilespmem:s14+$0x85F0] =	vst v0  }
0x131: {  	[tilespmem:s14+$0x8580] =	vst v0  }
0x132: {  	[tilespmem:s14+$0x8590] =	vst v0;
	s13 =	sadd.s32 $0x1, s13  }
0x133: {  	[tilespmem:s14+$0x85A0] =	vst v0;
	p0 =	sne.s32 s13, $0x19  }
.Ltmp16:
0x134: {  	[tilespmem:s14+$0x85B0] =	vst v0;
	(pc) =	sbr.rel @p0 .LBB2_2-.Ltmp16, $4  }
0x135: {  	[tilespmem:s14+$0x85C0] =	vst v0  }
0x136: {  	[tilespmem:s14+$0x85D0] =	vst v0;
	s15 =	sshll.u32 s15, $0x9  }
0x137: {  	[tilespmem:s14+$0x85E0] =	vst v0;
	s31 =	sadd.s32 s2, s15  }
0x138: {  	[hbm4b:s31+s4] =	stream.linear.scatter [tilespmem:s9], [sflag:$0x2], $0x8000, $0x38;
	[tilespmem:$0x10200] =	vst v63  }
0x139: {  	s12 =	sadd.s32 $0x1, s12  }
0x13a: {  	_ =	swait.ge [sflag:s10], $0x8000;
	p0 =	sne.s32 s12, s6  }
.Ltmp17:
0x13b: {  	[sflag:s10] =	ssyncset.done $0x0;
	(pc) =	sbr.rel @p0 .LBB2_1-.Ltmp17, $4  }
0x13c: {  	[sflag:s10] =	ssyncadd.s32 $0xFFFF8000  }
0x13d: {  	_ =	swait.ge [sflag:s11], $0x8000  }
0x13e: {  	[sflag:s11] =	ssyncset.done $0x0  }
0x13f: {  	[sflag:s11] =	ssyncadd.s32 $0xFFFF8000  }
0x140: {  	_ =	sfence.sel $0x180000  }
0x141: {  	[bflag:$0x0] =	sbarrier.arrive $0xFFFF  }
0x142: {  	p0 =	sne.s32 s0, $0x0;
	_ =	strace $0x90000047  }
0x143: {  	s0 =	sadd.s32 @!p0 $0x100000, s1;
	[bflag:$0x2] =	sbarrier.arrive $0xFFFF  }
0x144: {  	[sflag:s0] =	ssyncadd.tile.s32 @!p0 $0x1;
	_ =	shalt  }
.Lfunc_end2:
_tile_overlayer_lowered:
.L_overlay_start_2:
0x145: {  	(tag) =	ssettag $0x2  }
0x146: {  	s0 =	rddreg [dreg:$0x0];
	s2 =	stileid.u32  }
0x147: {  	s1 =	rddreg [dreg:$0x1];
	p0 =	sne.s32 s2, $0x0  }
0x148: {  	s3 =	rddreg [dreg:$0x2];
	[bflag:$0x3] =	sbarrier.arrive $0xFFFF;
	s2 =	simm.s32 @!p0 $0x1C03  }
0x149: {  	[timem:s3], [sflag:s2] =	dma.local @!p0 [hbm:s0], s1  }
0x14a: {  	s0 =	simm.s32 @!p0 $0x3  }
0x14b: {  	_ =	swait.ge @!p0 [sflag:s0], s1  }
0x14c: {  	s1 =	ssub.s32 @!p0 $0x0, s1;
	[sflag:s0] =	ssyncset.done @!p0 $0x0  }
0x14d: {  	[sflag:s0] =	ssyncadd.s32 @!p0 s1  }
0x14e: {  	[bflag:$0x3] =	sbarrier.arrive $0xFFFF  }
0x14f: {  	_ =	shalt  }

</sc_bundles>
